<compile_context>
chip_gen: v7x
topology: tpu7x:2x2x1
jax: 0.10.2.dev20260603
libtpu: 0.0.44.dev20260713+nightly
codegen_flags: <defaults>
</compile_context>

<pallas_src>
import functools

import jax
import jax.numpy as jnp
from jax.experimental import pallas as pl
from jax.experimental.pallas import tpu as pltpu

SPATIAL = 128
P = 512


def _seg_mean_kernel(kr_ref, kc_ref, kn_ref, f_ref, zin_ref, out_ref,
                     emit_ref, csum_ref, scal_ref, ccnt_ref, sem,
                     *, n_chunks):
    g = pl.program_id(0)

    @pl.when(g == 0)
    def _init():
        scal_ref[0] = -1
        scal_ref[1] = 0
        ccnt_ref[0] = 0.0
        csum_ref[0:1, :] = jnp.zeros_like(csum_ref[0:1, :])

    kv = kr_ref[0:1, :]
    kc = kc_ref[:, 0:1]
    kn = kn_ref[0:1, :]
    f = f_ref[:, :]

    prev_key = scal_ref[0]
    row0 = scal_ref[1]
    carry_cnt = ccnt_ref[0]
    carry_sum = csum_ref[0:1, :]

    ii = jax.lax.broadcasted_iota(jnp.int32, (P, P), 0)
    jj = jax.lax.broadcasted_iota(jnp.int32, (P, P), 1)
    same = (kc == kv)
    lower = (same & (ii >= jj)).astype(jnp.float32)
    upper_tri = (ii <= jj).astype(jnp.float32)

    segsum = jnp.dot(lower, f, preferred_element_type=jnp.float32)
    cnt = jnp.sum(lower, axis=1, keepdims=True)
    in_carry = (kc == prev_key).astype(jnp.float32)
    segsum = segsum + in_carry * carry_sum
    cnt = cnt + in_carry * carry_cnt

    is_last = (kv != kn)
    il_f = is_last.astype(jnp.float32)
    means = segsum / jnp.maximum(cnt, 1.0)

    rank = jnp.dot(il_f, upper_tri,
                   preferred_element_type=jnp.float32).astype(jnp.int32) - 1
    m = jnp.sum(is_last.astype(jnp.int32))
    er = jax.lax.broadcasted_iota(jnp.int32, (P, P), 0)
    sel = ((er == rank) & is_last).astype(jnp.float32)
    emitted = jnp.dot(sel, means, preferred_element_type=jnp.float32)

    last_open = (~is_last[0:1, P - 1:P]).astype(jnp.float32)
    new_csum = segsum[P - 1:P, :] * last_open
    new_ccnt = cnt[P - 1, 0] * last_open[0, 0]
    scal_ref[0] = jnp.max(kv)
    scal_ref[1] = row0 + m
    ccnt_ref[0] = new_ccnt
    csum_ref[0:1, :] = new_csum

    emit_ref[:, :] = emitted
    copy = pltpu.make_async_copy(
        emit_ref, out_ref.at[pl.ds(row0, P), :], sem)
    copy.start()
    copy.wait()


@jax.jit
def kernel(coords, features):
    n, c = features.shape
    x = coords[:, 0].astype(jnp.int32)
    y = coords[:, 1].astype(jnp.int32)
    z = coords[:, 2].astype(jnp.int32)
    b = coords[:, 3].astype(jnp.int32)
    keys = ((b * SPATIAL + z) * SPATIAL + y) * SPATIAL + x

    n_chunks = (n + P - 1) // P
    npad = n_chunks * P
    pad = npad - n
    big = jnp.iinfo(jnp.int32).max
    keys_p = jnp.concatenate([keys, jnp.full((pad,), big, jnp.int32)])
    feats_p = jnp.concatenate([features, jnp.zeros((pad, c), jnp.float32)])

    sk, perm = jax.lax.sort_key_val(keys_p, jnp.arange(npad, dtype=jnp.int32))
    sf = jnp.take(feats_p, perm, axis=0)

    keys_row = sk.reshape(1, npad)
    keys_col = sk.reshape(npad, 1)
    keys_next = jnp.concatenate(
        [sk[1:], jnp.full((1,), -7, jnp.int32)]).reshape(1, npad)
    zeros_out = jnp.zeros((npad + P, c), jnp.float32)

    out = pl.pallas_call(
        functools.partial(_seg_mean_kernel, n_chunks=n_chunks),
        grid=(n_chunks,),
        in_specs=[
            pl.BlockSpec((1, P), lambda g: (0, g)),
            pl.BlockSpec((P, 1), lambda g: (g, 0)),
            pl.BlockSpec((1, P), lambda g: (0, g)),
            pl.BlockSpec((P, c), lambda g: (g, 0)),
            pl.BlockSpec(memory_space=pl.ANY),
        ],
        out_specs=pl.BlockSpec(memory_space=pl.ANY),
        out_shape=jax.ShapeDtypeStruct((npad + P, c), jnp.float32),
        scratch_shapes=[
            pltpu.VMEM((P, c), jnp.float32),
            pltpu.VMEM((1, c), jnp.float32),
            pltpu.SMEM((2,), jnp.int32),
            pltpu.SMEM((1,), jnp.float32),
            pltpu.SemaphoreType.DMA,
        ],
        input_output_aliases={4: 0},
        compiler_params=pltpu.CompilerParams(
            dimension_semantics=("arbitrary",)),
    )(keys_row, keys_col, keys_next, sf, zeros_out)
    return out[:n]

# --- scband reference (transcript-rebuilt; emitter-appended) ---
"""Pipeline reference for scband-sparse-conv-net-unet-18906446037374 (READ-ONLY COPY).

The authoritative reference and input builder live on the scoring server;
editing this copy changes nothing except your own understanding.
"""

import jax, jax.numpy as jnp
import numpy as np

N = 400000
SPATIAL = 128
C = 32


def setup_inputs(seed: int = 0) -> dict:
    key = jax.random.key(seed)
    k1, k2 = jax.random.split(key)
    # coords: [N, 4] = (x, y, z, batch_idx), values in [0, SPATIAL)
    coords = jax.random.randint(k1, (N, 4), 0, SPATIAL, dtype=jnp.int32)
    features = jax.random.normal(k2, (N, C), dtype=jnp.float32)
    return {"coords": coords, "features": features}


def reference(coords, features):
    # scn.InputLayer(dim=3, spatial, mode=4): deduplicate coordinates and
    # AVERAGE features of points that share the same (x, y, z, batch) voxel.
    n = coords.shape[0]
    x = coords[:, 0].astype(jnp.int32)
    y = coords[:, 1].astype(jnp.int32)
    z = coords[:, 2].astype(jnp.int32)
    b = coords[:, 3].astype(jnp.int32)
    # linear voxel key; max value SPATIAL^4 - 1 = 2^28 - 1 fits in int32
    keys = ((b * SPATIAL + z) * SPATIAL + y) * SPATIAL + x
    uniq, inv = jnp.unique(keys, size=n, fill_value=-1, return_inverse=True)
    inv = inv.reshape(-1)
    sums = jax.ops.segment_sum(features, inv, num_segments=n)
    counts = jax.ops.segment_sum(jnp.ones((n,), jnp.float32), inv, num_segments=n)
    mean_feats = sums / jnp.maximum(counts, 1.0)[:, None]
    # mean_feats: [n, C] padded table of deduplicated voxel features
    # (rows where counts == 0 are padding, zero-valued)
    return mean_feats

if __name__ == "__main__":
    import jax
    _d = setup_inputs()
    print(jax.jit(kernel)(*tuple(_d.values())))

</pallas_src>

<mosaic_0001>
module attributes {stable_mosaic.version = 14 : i64} {
  func.func @_seg_mean_kernel(%arg0: i32, %arg1: memref<1x512xi32, #tpu.memory_space<vmem>>, %arg2: memref<512x1xi32, #tpu.memory_space<vmem>>, %arg3: memref<1x512xi32, #tpu.memory_space<vmem>>, %arg4: memref<512x32xf32, #tpu.memory_space<vmem>>, %arg5: memref<400896x32xf32, #tpu.memory_space<any>>, %arg6: memref<400896x32xf32, #tpu.memory_space<any>>, %arg7: memref<512x32xf32, #tpu.memory_space<vmem>>, %arg8: memref<1x32xf32, #tpu.memory_space<vmem>>, %arg9: memref<2xi32, #tpu.memory_space<smem>>, %arg10: memref<1xf32, #tpu.memory_space<smem>>, %arg11: memref<!tpu.dma_semaphore, #tpu.memory_space<semaphore_mem>>) attributes {dimension_semantics = [#tpu.dimension_semantics<arbitrary>], iteration_bounds = array<i64: 782>, scalar_prefetch = 0 : i64, scratch_operands = 5 : i64, tpu.core_type = #tpu.core_type<tc>, window_params = [{transform_indices = @transform_0, window_bounds = array<i64: 1, 512>}, {transform_indices = @transform_1, window_bounds = array<i64: 512, 1>}, {transform_indices = @transform_2, window_bounds = array<i64: 1, 512>}, {transform_indices = @transform_3, window_bounds = array<i64: 512, 32>}, {}, {}]} {
    %eq3A = arith.constant 0 : i32
    %eq3A_0 = arith.cmpi eq, %arg0, %eq3A : i32
    %convert_element_type3A = arith.extui %eq3A_0 : i1 to i32
    %cond3A = arith.constant 0 : i32
    %cond3A_1 = arith.cmpi ne, %convert_element_type3A, %cond3A : i32
    scf.if %cond3A_1 {
      %swap3A_93 = arith.constant -1 : i32
      %swap3A_94 = arith.constant 0 : index
      %swap3A_95 = memref.load %arg9[%swap3A_94] : memref<2xi32, #tpu.memory_space<smem>>
      memref.store %swap3A_93, %arg9[%swap3A_94] : memref<2xi32, #tpu.memory_space<smem>>
      %swap3A_96 = arith.constant 0 : i32
      %swap3A_97 = arith.constant 1 : index
      %swap3A_98 = memref.load %arg9[%swap3A_97] : memref<2xi32, #tpu.memory_space<smem>>
      memref.store %swap3A_96, %arg9[%swap3A_97] : memref<2xi32, #tpu.memory_space<smem>>
      %swap3A_99 = arith.constant 0.000000e+00 : f32
      %swap3A_100 = arith.constant 0 : index
      %swap3A_101 = memref.load %arg10[%swap3A_100] : memref<1xf32, #tpu.memory_space<smem>>
      memref.store %swap3A_99, %arg10[%swap3A_100] : memref<1xf32, #tpu.memory_space<smem>>
      %broadcast_in_dim3A_102 = arith.constant 0.000000e+00 : f32
      %broadcast_in_dim3A_103 = vector.broadcast %broadcast_in_dim3A_102 : f32 to vector<1x32xf32>
      %swap3A_104 = arith.constant 0 : index
      %swap3A_105 = arith.constant 0 : index
      %swap3A_106 = vector.load %arg8[%swap3A_104, %swap3A_105] : memref<1x32xf32, #tpu.memory_space<vmem>>, vector<1x32xf32>
      tpu.vector_store %arg8[%swap3A_104, %swap3A_105], %broadcast_in_dim3A_103 {strides = array<i32>} : memref<1x32xf32, #tpu.memory_space<vmem>>, vector<1x32xf32>,
    } else {
    }
    %get3A = arith.constant 0 : index
    %get3A_2 = arith.constant 0 : index
    %get3A_3 = vector.load %arg1[%get3A, %get3A_2] : memref<1x512xi32, #tpu.memory_space<vmem>>, vector<1x512xi32>
    %get3A_4 = arith.constant 0 : index
    %get3A_5 = arith.constant 0 : index
    %get3A_6 = vector.load %arg2[%get3A_4, %get3A_5] : memref<512x1xi32, #tpu.memory_space<vmem>>, vector<512x1xi32>
    %get3A_7 = arith.constant 0 : index
    %get3A_8 = arith.constant 0 : index
    %get3A_9 = vector.load %arg3[%get3A_7, %get3A_8] : memref<1x512xi32, #tpu.memory_space<vmem>>, vector<1x512xi32>
    %get3A_10 = arith.constant 0 : index
    %get3A_11 = arith.constant 0 : index
    %get3A_12 = vector.load %arg4[%get3A_10, %get3A_11] : memref<512x32xf32, #tpu.memory_space<vmem>>, vector<512x32xf32>
    %get3A_13 = arith.constant 0 : index
    %get3A_14 = memref.load %arg9[%get3A_13] : memref<2xi32, #tpu.memory_space<smem>>
    %get3A_15 = arith.constant 1 : index
    %get3A_16 = memref.load %arg9[%get3A_15] : memref<2xi32, #tpu.memory_space<smem>>
    %get3A_17 = arith.constant 0 : index
    %get3A_18 = memref.load %arg10[%get3A_17] : memref<1xf32, #tpu.memory_space<smem>>
    %get3A_19 = arith.constant 0 : index
    %get3A_20 = arith.constant 0 : index
    %get3A_21 = vector.load %arg8[%get3A_19, %get3A_20] : memref<1x32xf32, #tpu.memory_space<vmem>>, vector<1x32xf32>
    %iota3A = tpu.iota {dimensions = array<i32: 0>} : vector<512x512xi32>
    %iota3A_22 = tpu.iota {dimensions = array<i32: 1>} : vector<512x512xi32>
    %eq3A_23 = vector.broadcast %get3A_6 : vector<512x1xi32> to vector<512x512xi32>
    %eq3A_24 = vector.broadcast %get3A_3 : vector<1x512xi32> to vector<512x512xi32>
    %eq3A_25 = arith.cmpi eq, %eq3A_23, %eq3A_24 : vector<512x512xi32>
    %ge3A = arith.cmpi sge, %iota3A, %iota3A_22 : vector<512x512xi32>
    %and3A = arith.andi %eq3A_25, %ge3A : vector<512x512xi1>
    %convert_element_type3A_26 = arith.extui %and3A : vector<512x512xi1> to vector<512x512xi32>
    %convert_element_type3A_27 = arith.sitofp %convert_element_type3A_26 : vector<512x512xi32> to vector<512x512xf32>
    %le3A = arith.cmpi sle, %iota3A, %iota3A_22 : vector<512x512xi32>
    %convert_element_type3A_28 = arith.extui %le3A : vector<512x512xi1> to vector<512x512xi32>
    %convert_element_type3A_29 = arith.sitofp %convert_element_type3A_28 : vector<512x512xi32> to vector<512x512xf32>
    %dot_general3A = arith.constant dense<0.000000e+00> : vector<512x32xf32>
    %dot_general3A_30 = tpu.matmul %convert_element_type3A_27, %get3A_12, %dot_general3A {dimension_numbers = #tpu.dot_dimension_numbers<[1], [0], [0], [1], [0, 0, 1, 1], [], []>, transpose_lhs_hint = false} : vector<512x512xf32>, vector<512x32xf32>, vector<512x32xf32> -> vector<512x32xf32>
    %reduce_sum3A = arith.constant dense<0.000000e+00> : vector<512xf32>
    %reduce_sum3A_31 = vector.multi_reduction <add>, %convert_element_type3A_27, %reduce_sum3A [1] : vector<512x512xf32> to vector<512xf32>
    %broadcast_in_dim3A = vector.shape_cast %reduce_sum3A_31 : vector<512xf32> to vector<512x1xf32>
    %eq3A_32 = vector.broadcast %get3A_14 : i32 to vector<512x1xi32>
    %eq3A_33 = arith.cmpi eq, %get3A_6, %eq3A_32 : vector<512x1xi32>
    %convert_element_type3A_34 = arith.extui %eq3A_33 : vector<512x1xi1> to vector<512x1xi32>
    %convert_element_type3A_35 = arith.sitofp %convert_element_type3A_34 : vector<512x1xi32> to vector<512x1xf32>
    %mul3A = vector.broadcast %convert_element_type3A_35 : vector<512x1xf32> to vector<512x32xf32>
    %mul3A_36 = vector.broadcast %get3A_21 : vector<1x32xf32> to vector<512x32xf32>
    %mul3A_37 = arith.mulf %mul3A, %mul3A_36 : vector<512x32xf32>
    %add3A = arith.addf %dot_general3A_30, %mul3A_37 : vector<512x32xf32>
    %mul3A_38 = vector.broadcast %get3A_18 : f32 to vector<512x1xf32>
    %mul3A_39 = arith.mulf %convert_element_type3A_35, %mul3A_38 : vector<512x1xf32>
    %add3A_40 = arith.addf %broadcast_in_dim3A, %mul3A_39 : vector<512x1xf32>
    %ne3A = arith.cmpi ne, %get3A_3, %get3A_9 : vector<1x512xi32>
    %convert_element_type3A_41 = arith.extui %ne3A : vector<1x512xi1> to vector<1x512xi32>
    %convert_element_type3A_42 = arith.sitofp %convert_element_type3A_41 : vector<1x512xi32> to vector<1x512xf32>
    %max3A = arith.constant 1.000000e+00 : f32
    %max3A_43 = vector.broadcast %max3A : f32 to vector<512x1xf32>
    %max3A_44 = arith.maximumf %add3A_40, %max3A_43 : vector<512x1xf32>
    %div3A = vector.broadcast %max3A_44 : vector<512x1xf32> to vector<512x32xf32>
    %div3A_45 = arith.divf %add3A, %div3A : vector<512x32xf32>
    %dot_general3A_46 = arith.constant dense<0.000000e+00> : vector<1x512xf32>
    %dot_general3A_47 = tpu.matmul %convert_element_type3A_42, %convert_element_type3A_29, %dot_general3A_46 {dimension_numbers = #tpu.dot_dimension_numbers<[1], [0], [0], [1], [0, 0, 1, 1], [], []>, transpose_lhs_hint = false} : vector<1x512xf32>, vector<512x512xf32>, vector<1x512xf32> -> vector<1x512xf32>
    %convert_element_type3A_48 = arith.fptosi %dot_general3A_47 : vector<1x512xf32> to vector<1x512xi32>
    %sub3A = arith.constant 1 : i32
    %sub3A_49 = vector.broadcast %sub3A : i32 to vector<1x512xi32>
    %sub3A_50 = arith.subi %convert_element_type3A_48, %sub3A_49 : vector<1x512xi32>
    %convert_element_type3A_51 = arith.extui %ne3A : vector<1x512xi1> to vector<1x512xi32>
    %reduce_sum3A_52 = vector.shape_cast %convert_element_type3A_51 : vector<1x512xi32> to vector<1x1x512xi32>
    %reduce_sum3A_53 = arith.constant dense<0> : vector<1xi32>
    %reduce_sum3A_54 = vector.multi_reduction <add>, %reduce_sum3A_52, %reduce_sum3A_53 [1, 2] : vector<1x1x512xi32> to vector<1xi32>
    %reduce_sum3A_55 = vector.shape_cast %reduce_sum3A_54 : vector<1xi32> to vector<1x1x1xi32>
    %reduce_sum3A_56 = vector.extract %reduce_sum3A_55[0, 0, 0] : i32 from vector<1x1x1xi32>
    %iota3A_57 = tpu.iota {dimensions = array<i32: 0>} : vector<512x512xi32>
    %eq3A_58 = vector.broadcast %sub3A_50 : vector<1x512xi32> to vector<512x512xi32>
    %eq3A_59 = arith.cmpi eq, %iota3A_57, %eq3A_58 : vector<512x512xi32>
    %and3A_60 = vector.broadcast %ne3A : vector<1x512xi1> to vector<512x512xi1>
    %and3A_61 = arith.andi %eq3A_59, %and3A_60 : vector<512x512xi1>
    %convert_element_type3A_62 = arith.extui %and3A_61 : vector<512x512xi1> to vector<512x512xi32>
    %convert_element_type3A_63 = arith.sitofp %convert_element_type3A_62 : vector<512x512xi32> to vector<512x512xf32>
    %dot_general3A_64 = arith.constant dense<0.000000e+00> : vector<512x32xf32>
    %dot_general3A_65 = tpu.matmul %convert_element_type3A_63, %div3A_45, %dot_general3A_64 {dimension_numbers = #tpu.dot_dimension_numbers<[1], [0], [0], [1], [0, 0, 1, 1], [], []>, transpose_lhs_hint = false} : vector<512x512xf32>, vector<512x32xf32>, vector<512x32xf32> -> vector<512x32xf32>
    %slice3A = vector.extract_strided_slice %ne3A {offsets = [0, 511], sizes = [1, 1], strides = [1, 1]} : vector<1x512xi1> to vector<1x1xi1>
    %not3A = arith.constant dense<true> : vector<1x1xi1>
    %not3A_66 = arith.xori %slice3A, %not3A : vector<1x1xi1>
    %convert_element_type3A_67 = arith.extui %not3A_66 : vector<1x1xi1> to vector<1x1xi32>
    %convert_element_type3A_68 = arith.sitofp %convert_element_type3A_67 : vector<1x1xi32> to vector<1x1xf32>
    %slice3A_69 = vector.extract_strided_slice %add3A {offsets = [511, 0], sizes = [1, 32], strides = [1, 1]} : vector<512x32xf32> to vector<1x32xf32>
    %mul3A_70 = vector.broadcast %convert_element_type3A_68 : vector<1x1xf32> to vector<1x32xf32>
    %mul3A_71 = arith.mulf %slice3A_69, %mul3A_70 : vector<1x32xf32>
    %slice3A_72 = vector.extract_strided_slice %add3A_40 {offsets = [511, 0], sizes = [1, 1], strides = [1, 1]} : vector<512x1xf32> to vector<1x1xf32>
    %squeeze3A = vector.extract %slice3A_72[0, 0] : f32 from vector<1x1xf32>
    %squeeze3A_73 = vector.extract %convert_element_type3A_68[0, 0] : f32 from vector<1x1xf32>
    %mul3A_74 = arith.mulf %squeeze3A, %squeeze3A_73 : f32
    %reduce_max3A = vector.shape_cast %get3A_3 : vector<1x512xi32> to vector<1x1x512xi32>
    %reduce_max3A_75 = arith.constant dense<-2147483648> : vector<1xi32>
    %reduce_max3A_76 = vector.multi_reduction <maxsi>, %reduce_max3A, %reduce_max3A_75 [1, 2] : vector<1x1x512xi32> to vector<1xi32>
    %reduce_max3A_77 = vector.shape_cast %reduce_max3A_76 : vector<1xi32> to vector<1x1x1xi32>
    %reduce_max3A_78 = vector.extract %reduce_max3A_77[0, 0, 0] : i32 from vector<1x1x1xi32>
    %swap3A = arith.constant 0 : index
    %swap3A_79 = memref.load %arg9[%swap3A] : memref<2xi32, #tpu.memory_space<smem>>
    memref.store %reduce_max3A_78, %arg9[%swap3A] : memref<2xi32, #tpu.memory_space<smem>>
    %add3A_80 = arith.addi %get3A_16, %reduce_sum3A_56 : i32
    %swap3A_81 = arith.constant 1 : index
    %swap3A_82 = memref.load %arg9[%swap3A_81] : memref<2xi32, #tpu.memory_space<smem>>
    memref.store %add3A_80, %arg9[%swap3A_81] : memref<2xi32, #tpu.memory_space<smem>>
    %swap3A_83 = arith.constant 0 : index
    %swap3A_84 = memref.load %arg10[%swap3A_83] : memref<1xf32, #tpu.memory_space<smem>>
    memref.store %mul3A_74, %arg10[%swap3A_83] : memref<1xf32, #tpu.memory_space<smem>>
    %swap3A_85 = arith.constant 0 : index
    %swap3A_86 = arith.constant 0 : index
    %swap3A_87 = vector.load %arg8[%swap3A_85, %swap3A_86] : memref<1x32xf32, #tpu.memory_space<vmem>>, vector<1x32xf32>
    tpu.vector_store %arg8[%swap3A_85, %swap3A_86], %mul3A_71 {strides = array<i32>} : memref<1x32xf32, #tpu.memory_space<vmem>>, vector<1x32xf32>,
    %swap3A_88 = arith.constant 0 : index
    %swap3A_89 = arith.constant 0 : index
    %swap3A_90 = vector.load %arg7[%swap3A_88, %swap3A_89] : memref<512x32xf32, #tpu.memory_space<vmem>>, vector<512x32xf32>
    tpu.vector_store %arg7[%swap3A_88, %swap3A_89], %dot_general3A_65 {strides = array<i32>} : memref<512x32xf32, #tpu.memory_space<vmem>>, vector<512x32xf32>,
    %dma_start3A = arith.constant 0 : i32
    %dma_start3A_91 = tpu.memref_slice %arg6[%get3A_16, %dma_start3A] : memref<400896x32xf32, #tpu.memory_space<any>> -> memref<512x32xf32, #tpu.memory_space<any>>
    tpu.enqueue_dma source(%arg7 : memref<512x32xf32, #tpu.memory_space<vmem>>) target(%dma_start3A_91 : memref<512x32xf32, #tpu.memory_space<any>>) target_semaphore(%arg11 : memref<!tpu.dma_semaphore, #tpu.memory_space<semaphore_mem>>)
    %dma_wait3A = arith.constant 0 : i32
    %dma_wait3A_92 = tpu.memref_slice %arg6[%get3A_16, %dma_wait3A] : memref<400896x32xf32, #tpu.memory_space<any>> -> memref<512x32xf32, #tpu.memory_space<any>>
    tpu.wait_dma2 semaphore(%arg11 : memref<!tpu.dma_semaphore, #tpu.memory_space<semaphore_mem>>) src(%arg7 : memref<512x32xf32, #tpu.memory_space<vmem>>) dst(%dma_wait3A_92 : memref<512x32xf32, #tpu.memory_space<any>>)
    return
  }
  func.func @transform_0(%arg0: i32) -> (i32, i32) {
    %c0_i32 = arith.constant 0 : i32
    %c0_i32_0 = arith.constant 0 : i32
    return %c0_i32, %arg0 : i32, i32
  }
  func.func @transform_1(%arg0: i32) -> (i32, i32) {
    %c0_i32 = arith.constant 0 : i32
    %c0_i32_0 = arith.constant 0 : i32
    return %arg0, %c0_i32 : i32, i32
  }
  func.func @transform_2(%arg0: i32) -> (i32, i32) {
    %c0_i32 = arith.constant 0 : i32
    %c0_i32_0 = arith.constant 0 : i32
    return %c0_i32, %arg0 : i32, i32
  }
  func.func @transform_3(%arg0: i32) -> (i32, i32) {
    %c0_i32 = arith.constant 0 : i32
    %c0_i32_0 = arith.constant 0 : i32
    return %arg0, %c0_i32 : i32, i32
  }
}

</mosaic_0001>

<sc_bundles>
// kernel: gather_offload_async_start
scs
__scs_entry_jumppad:
0x0: {  	(pc) =	sbr.rel $0x88, $3  }
0x1: {  	(tag) =	ssettag $0x0;
	lr =	simm.s32 $0x1  }
0x2: {  	[smem:$0x3F9F] =	sst lr;
	_ =	strace $0xD0000000  }
0x3: {  	_ = 	snop  }
0x4: {  	_ = 	snop  }
0x5: {  	_ = 	snop  }
0x6: {  	_ = 	snop  }
0x7: {  	_ = 	snop  }
__scs_overlays_trampoline_lowered:
0x8: {  	[smem:$0x3FAE] =	sst s0  }
0x9: {  	[smem:$0x3FAF] =	sst s1  }
0xa: {  	[smem:$0x3FB0] =	sst s2  }
0xb: {  	[smem:$0x3FB1] =	sst s3  }
0xc: {  	[smem:$0x3FB2] =	sst s4  }
0xd: {  	[smem:$0x3FB3] =	sst s5  }
0xe: {  	[smem:$0x3FB4] =	sst s6  }
0xf: {  	[smem:$0x3FB5] =	sst s7  }
0x10: {  	[smem:$0x3FB6] =	sst s8  }
0x11: {  	[smem:$0x3FB7] =	sst s9;
	s0 =	simm.s32 @!p0 $0x0  }
0x12: {  	s1 =	sld [smem:$0x3F9D];
	s0 =	simm.s32 @p0 $0x1  }
0x13: {  	[smem:$0x3FB8] =	sst s0;
	s0 =	simm.s32 @!p1 $0x0  }
0x14: {  	s2 =	sld [smem:$0x3F9C];
	s0 =	simm.s32 @p1 $0x1  }
0x15: {  	[smem:$0x3FB9] =	sst s0;
	s0 =	simm.s32 @!p2 $0x0  }
0x16: {  	s3 =	sld [smem:$0x3FDB];
	s0 =	simm.s32 @p2 $0x1  }
0x17: {  	s4 =	simm.s32 $0x1BF5;
	[smem:$0x3FBB] =	sst s0  }
0x18: {  	s0 =	sld [smem:$0x3F9E];
	_ =	swait.ge [sflag:s4], $0x0  }
0x19: {  	s7 =	sld [smem:$0x3F9F]  }
0x1a: {  	s8 =	sadd.s32 $0xFFFFE003, lr  }
0x1b: {  	s9 =	sadd.s32 $0xFFFFFEF7, lr;
	s5 =	simm.s32 $0xFFFFFFFF;
	p2 =	slt.u32 s8, $0xFFFFF086  }
0x1c: {  	p1 =	slt.u32 s9, $0xF7A;
	s5 =	simm.s32 @!p2 $0x0  }
0x1d: {  	s5 =	simm.s32 @p1 $0x1;
	p0 =	seq.s32 s7, s2  }
0x1e: {  	s7 =	smul.u32 @!p0 $0xF7A, s2;
	p2 =	seq.s32 @!p0 s5, $0x0  }
0x1f: {  	s9 =	smul.u32 $0xF7A, s1;
	s8 =	simm.s32 @!p0 $0x1BF5;
	p2 =	por !p2, p0  }
0x20: {  	[sflag:s8] =	ssyncset.s32 @!p0 $0xFFFFF086;
	s6 =	sadd.s32 @!p0 s3, s7;
	s7 =	simm.s32 @!p0 $0x108  }
0x21: {  	s3 =	sadd.s32 s3, s9;
	s6 =	sadd.s32 @!p0 $0x88, s6;
	s7 =	simm.s32 @p2 $0x1082  }
0x22: {  	[simem:s7], [sflag:s8] =	dma.local @!p0 [hbm:s6], $0xF7A  }
0x23: {  	s9 =	sor.u32 $0xD0000000, s2;
	s6 =	simm.s32 $0x108;
	_ =	swait.ge @!p0 [sflag:s8], $0x0  }
0x24: {  	s3 =	sadd.s32 $0x88, s3;
	s6 =	simm.s32 @!p1 $0x1082;
	[sflag:s4] =	ssyncset.s32 $0xFFFFF086  }
0x25: {  	[simem:s6], [sflag:s4] =	dma.local [hbm:s3], $0xF7A  }
0x26: {  	[smem:$0x3F9F] =	sst s1;
	(tag) =	ssettag s2;
	_ =	strace s9  }
0x27: {  	s1 =	sld [smem:$0x3FAF]  }
0x28: {  	s2 =	sld [smem:$0x3FB0]  }
0x29: {  	s4 =	sld [smem:$0x3FB2]  }
0x2a: {  	p0 =	seq.s32 s5, $0x0;
	s5 =	sld [smem:$0x3FB3]  }
0x2b: {  	s6 =	sld [smem:$0x3FB4]  }
0x2c: {  	s7 =	sld [smem:$0x3FB5]  }
0x2d: {  	s3 =	simm.s32 $0x108;
	s8 =	sld [smem:$0x3FB6]  }
0x2e: {  	s3 =	simm.s32 @!p0 $0x1082;
	s9 =	sld [smem:$0x3FB7]  }
0x2f: {  	lr =	sadd.s32 s0, s3;
	s0 =	sld [smem:$0x3FAE]  }
0x30: {  	s3 =	sld [smem:$0x3FB1]  }
0x31: {  	[smem:$0x3FBA] =	sst s10  }
0x32: {  	s10 =	sld [smem:$0x3FB8];
	_ =	sdelay $0x3  }
0x33: {  	p0 =	seq.s32 s10, $0x1;
	s10 =	sld [smem:$0x3FBA];
	_ =	sdelay $0x3  }
0x34: {  	[smem:$0x3FBA] =	sst s10  }
0x35: {  	s10 =	sld [smem:$0x3FB9];
	_ =	sdelay $0x3  }
0x36: {  	p1 =	seq.s32 s10, $0x1;
	s10 =	sld [smem:$0x3FBA];
	_ =	sdelay $0x3  }
0x37: {  	[smem:$0x3FBA] =	sst s10  }
0x38: {  	s10 =	sld [smem:$0x3FBB]  }
0x39: {  	_ = 	snop;
	(pc) =	sbr.ind lr, $3  }
0x3a: {  	_ = 	snop  }
0x3b: {  	_ = 	snop  }
0x3c: {  	p2 =	seq.s32 s10, $0x1;
	s10 =	sld [smem:$0x3FBA]  }
0x3d: {  	_ =	shalt  }
0x3e: {  	_ =	shalt  }
0x3f: {  	_ =	shalt  }
0x40: {  	_ =	shalt  }
0x41: {  	_ =	shalt  }
0x42: {  	_ =	shalt  }
0x43: {  	_ =	shalt  }
0x44: {  	_ =	shalt  }
0x45: {  	_ =	shalt  }
0x46: {  	_ =	shalt  }
0x47: {  	_ =	shalt  }
0x48: {  	_ =	shalt  }
0x49: {  	_ =	shalt  }
0x4a: {  	_ =	shalt  }
0x4b: {  	_ =	shalt  }
0x4c: {  	_ =	shalt  }
0x4d: {  	_ =	shalt  }
0x4e: {  	_ =	shalt  }
0x4f: {  	_ =	shalt  }
0x50: {  	_ =	shalt  }
0x51: {  	_ =	shalt  }
0x52: {  	_ =	shalt  }
0x53: {  	_ =	shalt  }
0x54: {  	_ =	shalt  }
0x55: {  	_ =	shalt  }
0x56: {  	_ =	shalt  }
0x57: {  	_ =	shalt  }
0x58: {  	_ =	shalt  }
0x59: {  	_ =	shalt  }
0x5a: {  	_ =	shalt  }
0x5b: {  	_ =	shalt  }
0x5c: {  	_ =	shalt  }
0x5d: {  	_ =	shalt  }
0x5e: {  	_ =	shalt  }
0x5f: {  	_ =	shalt  }
0x60: {  	_ =	shalt  }
0x61: {  	_ =	shalt  }
0x62: {  	_ =	shalt  }
0x63: {  	_ =	shalt  }
0x64: {  	_ =	shalt  }
0x65: {  	_ =	shalt  }
0x66: {  	_ =	shalt  }
0x67: {  	_ =	shalt  }
0x68: {  	_ =	shalt  }
0x69: {  	_ =	shalt  }
0x6a: {  	_ =	shalt  }
0x6b: {  	_ =	shalt  }
0x6c: {  	_ =	shalt  }
0x6d: {  	_ =	shalt  }
0x6e: {  	_ =	shalt  }
0x6f: {  	_ =	shalt  }
0x70: {  	_ =	shalt  }
0x71: {  	_ =	shalt  }
0x72: {  	_ =	shalt  }
0x73: {  	_ =	shalt  }
0x74: {  	_ =	shalt  }
0x75: {  	_ =	shalt  }
0x76: {  	_ =	shalt  }
0x77: {  	_ =	shalt  }
0x78: {  	_ =	shalt  }
0x79: {  	_ =	shalt  }
0x7a: {  	_ =	shalt  }
0x7b: {  	_ =	shalt  }
0x7c: {  	_ =	shalt  }
0x7d: {  	_ =	shalt  }
0x7e: {  	_ =	shalt  }
0x7f: {  	_ =	shalt  }
0x80: {  	_ =	shalt  }
0x81: {  	_ =	shalt  }
0x82: {  	_ =	shalt  }
0x83: {  	_ =	shalt  }
0x84: {  	_ =	shalt  }
0x85: {  	_ =	shalt  }
0x86: {  	_ =	shalt  }
0x87: {  	_ =	shalt  }
.Lfunc_end0:
.L_simem_size_0:
called_computation.2_lowered:
.L_overlay_start_0:
0x88: {  	s2 =	sld [smem:$0x3FD9]  }
0x89: {  	s3 =	sld [smem:$0x3FFE];
	_ =	sdelay $0x1  }
0x8a: {  	s1 =	srdreg.scid  }
0x8b: {  	s0 =	sand.u32 $0x1, s1  }
0x8c: {  	s16 =	sshll.u32 s0, $0xA;
	s2 =	sadd.s32 s3, s2  }
0x8d: {  	s2 =	sadd.s32 s2, s16  }
0x8e: {  	[smem:$0x3FC6] =	sst s2  }
0x8f: {  	_ = 	snop  }
0x90: {  	(tm) =	ssettm $0x1  }
0x91: {  	s17 =	sld [smem:$0x3FFB];
	_ =	sdelay $0x3  }
0x92: {  	_ =	strace s17  }
0x93: {  	s2 =	sld [smem:$0x3FFC];
	_ =	sdelay $0x3  }
0x94: {  	_ =	strace s2  }
0x95: {  	s2 =	sld [smem:$0x3FFD];
	_ =	sdelay $0x3  }
0x96: {  	_ =	strace s2  }
0x97: {  	_ =	strace $0x8FFFFFFF  }
0x98: {  	s18 =	sld [smem:$0x3FDB];
	_ =	sdelay $0x1  }
0x99: {  	s19 =	simm.s32 $_scs_section_size  }
0x9a: {  	s4 =	simm.s32 $_size__tile_overlayer_lowered;
	s5 =	simm.s32 $_tile_overlayer_lowered  }
0x9b: {  	s22 =	simm.s32 $0x1BFF;
	s21 =	sshll.u32 s5, $0x1;
	s2 =	sadd.s32 s19, s18  }
0x9c: {  	s6 =	simm.s32 $0x0;
	s20 =	sshll.u32 s4, $0x1;
	s4 =	sadd.s32 s21, s2  }
0x9d: {  	[timem:s6], [sflag:s22] =	dma.local [hbm:s4], s20  }
0x9e: {  	_ =	swait.ge [sflag:s22], s20  }
0x9f: {  	s3 =	ssub.s32 $0x0, s20;
	[sflag:s22] =	ssyncset.done $0x0  }
0xa0: {  	[sflag:s22] =	ssyncadd.s32 s3;
	_ =	sdelay $0x1  }
0xa1: {  	s23 =	simm.s32 $0x1B8B  }
0xa2: {  	_ =	swait.ge [sflag:s23], $0x1  }
0xa3: {  	[sflag:s23] =	ssyncset.done $0x0  }
0xa4: {  	s25 =	simm.s32 $0x1B8E;
	s24 =	sld [smem:$0x3FFE];
	[sflag:s23] =	ssyncadd.s32 $0xFFFFFFFF  }
0xa5: {  	s26 =	simm.s32 $execute0_lowered;
	[smem:$0x3FD2] =	sst s25  }
0xa6: {  	s4 =	sshll.u32 s26, $0x1;
	_ =	strace $0x80000046;
	[dreg:$0x1] =	wrdreg $0xFFFFFFFF  }
0xa7: {  	s28 =	simm.s32 $_size_execute0_lowered;
	s2 =	sadd.s32 s2, s4;
	[dreg:$0x0] =	wrdreg $0x0  }
0xa8: {  	s4 =	sshll.u32 s28, $0x1;
	[dreg:$0x2] =	wrdreg s2  }
0xa9: {  	[dreg:$0x3] =	wrdreg s4  }
0xaa: {  	[dreg:$0x4] =	wrdreg $0xC0  }
0xab: {  	_ =	task [dreg:s6], $0x5FFFF  }
0xac: {  	[dreg:$0x1] =	wrdreg $0xFFFFFFFF  }
0xad: {  	[dreg:$0x0] =	wrdreg $0x60  }
0xae: {  	[dreg:$0x2] =	wrdreg s24  }
0xaf: {  	[dreg:$0x3] =	wrdreg $0x9  }
0xb0: {  	_ =	task.clear_ibuf [dreg:s6], $0x4FFFF;
	_ =	strace $0x90000046  }
0xb1: {  	s29 =	simm.s32 $0x9;
	_ =	strace $0x80000048  }
0xb2: {  	_ =	swait.ge [sflag:s29], $0x1  }
0xb3: {  	[sflag:s29] =	ssyncadd.s32 $0xFFFFFFFF  }
0xb4: {  	_ =	strace $0x90000048  }
0xb5: {  	_ =	sfence  }
0xb6: {  	s30 =	sld [smem:$0x0];
	_ =	sdelay $0x2  }
0xb7: {  	s31 =	sshll.u32 s1, $0xD;
	s1 =	sshrl.u32 s1, $0x2  }
0xb8: {  	s3 =	sand.u32 $0x4000, s31;
	s1 =	sadd.s32 s1, s30  }
0xb9: {  	s0 =	sor.u32 s3, s0;
	s1 =	sshll.u32 s1, $0x11  }
0xba: {  	s0 =	sor.u32 s1, s0  }
0xbb: {  	s0 =	sadd.s32 $0x8F2B, s0  }
0xbc: {  	[sflag:s0] =	ssyncadd.remote.s32 $0x1  }
0xbd: {  	_ =	sfence.sel $0xFFFF  }
0xbe: {  	[dreg:$0x0] =	wrdreg $0xFFFFFFFF;
	(pc) =	sbr.abs _section_cstart, $3  }
0xbf: {  	[dreg:$0x1] =	wrdreg $0xFFFFFFFF  }
0xc0: {  	_ =	task.clear_ibuf [dreg:s6], $0x2FFFF;
	_ =	strace $0x9FFFFFFF  }
0xc1: {  	(tm) =	ssettm $0x7FFFFFFF  }
tec
execute0_lowered:
.L_overlay_start_1:
0x0: {  	(tag) =	ssettag $0x1  }
0x1: {  	s11 =	rddreg [dreg:$0x0]  }
0x2: {  	s0 =	rddreg [dreg:$0x1]  }
0x3: {  	s2 =	srdreg.scid;
	_ =	strace $0x80000047;
	s1 =	stileid.u32  }
0x4: {  	s4 =	simm.s32 $0x1;
	s10 =	simm.s32 $0x3;
	s13 =	simm.s32 $0x0  }
0x5: {  	s16 =	simm.s32 $0x0;
	s15 =	simm.s32 $0x0;
	s3 =	sshll.u32 s2, $0x9  }
0x6: {  	s2 =	sadd.s32 $0x19000, s11;
	s5 =	sshll.u32 s1, $0xA;
	s6 =	sand.u32 $0x200, s3  }
0x7: {  	[sflag:s4] =	ssyncpa.u1 $0x0;
	s7 =	sadd.s32 $0x1A0000, s11;
	s5 =	sor.u32 s5, s6  }
0x8: {  	s3 =	sadd.s32 $0xCC00, s11;
	s6 =	simm.s32 $0x2;
	s8 =	ssub.s32 $0x61C00, s5  }
.Ltmp0:
0x9: {  	[sflag:s6] =	ssyncpa.u1 $0x0;
	s9 =	sand.u32 $0x3E00, s8;
	(pc) =	sbr.rel .LBB2_1-.Ltmp0, $4  }
0xa: {  	s14 =	smov.u32 s5;
	p0 =	sne.s32 s9, $0x0;
	s9 =	simm.s32 $0x1  }
0xb: {  	[sflag:s10] =	ssyncpa.u1 $0x0;
	s8 =	sshrl.u32 s8, $0xE;
	s9 =	simm.s32 @!p0 $0x0  }
0xc: {  	s10 =	sadd.s32 $0x263800, s11;
	p0 =	por $0x0, $0x0;
	s8 =	sadd.s32 s9, s8  }
0xd: {  	vm0 =	vmmov $0xffff;
	v0 =	vlaneseq.u32;
	s9 =	sadd.s32 $0x201C00, s11;
	s11 =	sadd.s32 $0x2C5400, s11;
	s12 =	sadd.s32 $0x1, s8  }
.LBB2_4:
0xe: {  	_ =	sdelay $0x3  }
0xf: {  	[tilespmem:s23], [sflag:$0x1] =	stream.indirect_vreg.gather [hbm4b:s2+s13], $0x1, v1, vm0, $0x4038;
	[tilespmem:$0x8400] =	vst v63  }
0x10: {  	s19 =	sshll.u32 s16, $0x3  }
0x11: {  	s24 =	sand.u32 $0x78, s16;
	s19 =	sand.u32 $0xFFFFFC00, s19  }
0x12: {  	_ =	swait.ge [sflag:s4], $0x4000;
	s16 =	sor.u32 s24, s19  }
0x13: {  	[sflag:s4] =	ssyncset.done $0x0;
	s16 =	sshrl.u32 s16, $0x3  }
0x14: {  	[sflag:s4] =	ssyncadd.s32 $0xFFFFC000;
	s25 =	sadd.s32 s7, s16  }
0x15: {  	[hbm:s25] =	stream.linear.scatter [tilespmem:s18], [sflag:$0x3], $0x1000, $0x38;
	[tilespmem:$0x8400] =	vst v63  }
0x16: {  	s26 =	sadd.s32 $0x1400, s17;
	s28 =	sadd.s32 s16, s9  }
0x17: {  	[hbm:s28] =	stream.linear.scatter [tilespmem:s26], [sflag:$0x3], $0x1000, $0x38;
	[tilespmem:$0x8400] =	vst v63  }
0x18: {  	s29 =	sadd.s32 $0x2400, s17;
	s30 =	sadd.s32 s16, s10  }
0x19: {  	[hbm:s30] =	stream.linear.scatter [tilespmem:s29], [sflag:$0x3], $0x1000, $0x38;
	[tilespmem:$0x8400] =	vst v63  }
0x1a: {  	s31 =	sadd.s32 $0x3400, s17;
	s16 =	sadd.s32 s16, s11  }
0x1b: {  	[hbm:s16] =	stream.linear.scatter [tilespmem:s31], [sflag:$0x3], $0x1000, $0x38;
	[tilespmem:$0x8400] =	vst v63  }
.LBB2_5:
0x1c: {  	s18 =	sadd.s32 $0x4000, s14  }
0x1d: {  	p2 =	sgt.s32 s18, $0x61BFF  }
0x1e: {  	s18 =	smov.u32 @p2 s5;
	p2 =	sne.s32 s15, s12  }
.Ltmp1:
0x1f: {  	p1 =	slt.u32 s15, $0x2;
	(pc) =	sbr.rel @!p2 .LBB2_6-.Ltmp1, $4  }
0x20: {  	s17 =	simm.s32 @!p1 $0x3  }
0x21: {  	s19 =	sadd.s32 $0x1, s15;
	_ =	swait.ge @!p1 [sflag:s17], $0x4000  }
0x22: {  	s16 =	smov.u32 s14;
	p0 =	por !p0, !p0;
	[sflag:s17] =	ssyncset.done @!p1 $0x0  }
0x23: {  	s15 =	smov.u32 s19;
	s14 =	smov.u32 s18;
	[sflag:s17] =	ssyncadd.s32 @!p1 $0xFFFFC000  }
.LBB2_1:
0x24: {  	p1 =	sge.u32 s15, s8  }
0x25: {  	s17 =	sxor.u32 @!p1 $0xFFFFFFFF, s15  }
0x26: {  	s31 =	sadd.s32 $0xFFFFFFFF, s15;
	s18 =	sshrl.u32 @!p1 s14, $0x3;
	s17 =	sshll.u32 @!p1 s17, $0x9  }
0x27: {  	s19 =	sand.u32 @!p1 $0x7, s14;
	s18 =	sadd.s32 @!p1 s3, s18;
	s17 =	sand.u32 @!p1 $0x200, s17  }
0x28: {  	[tilespmem:s17], [sflag:$0x2] =	stream.linear.gather @!p1 [hbm4b:s18+s19], $0x200, $0x38;
	[tilespmem:$0x8400] =	vst v63  }
0x29: {  	p1 =	sge.u32 s31, s8  }
.Ltmp2:
0x2a: {  	_ = 	snop;
	(pc) =	sbr.rel @p1 .LBB2_5-.Ltmp2, $1  }
0x2b: {  	_ =	sdelay $0x3  }
0x2c: {  	s17 =	simm.s32 $0x1;
	_ =	swait.ge [sflag:s6], $0x200  }
0x2d: {  	s17 =	simm.s32 @!p0 $0x0;
	[sflag:s6] =	ssyncset.done $0x0  }
0x2e: {  	s20 =	sshll.u32 s17, $0x9;
	[sflag:s6] =	ssyncadd.s32 $0xFFFFFE00  }
0x2f: {  	v1 =	vld.msk [tilespmem:s20+$0x0 ss:$0x1], $0xffff;
	_ =	sdelay $0x2  }
0x30: {  	s21 =	ssub.s32 $0x61C00, s16  }
0x31: {  	p1 =	slt.s32 s21, $0x200  }
0x32: {  	s21 =	simm.s32 @!p1 $0x200;
	vm1 =	vgt.s32 v1, $0x0  }
0x33: {  	p1 =	sgt.s32 s21, $0x0;
	s17 =	smov.u32 s21;
	v1 =	vnsel vm1, $0x0, v1  }
0x34: {  	s17 =	simm.s32 @!p1 $0x0;
	v1 =	vmin.u32 v1, $0x61BFF  }
0x35: {  	s17 =	smin.u32 s17, $0x10;
	v2 =	vshll.u32 v1, $0x3  }
0x36: {  	v3 =	vmov s17;
	v1 =	vand.u32 $0x7F, v1;
	v2 =	vand.u32 $0x3FFC00, v2  }
0x37: {  	vm1 =	vgt.u32 v3, v0;
	v1 =	vor.u32 v1, v2  }
0x38: {  	s25 =	sshll.u32 s15, $0xE;
	v2 =	vnsel vm1, $0x7FFFFFFF, v1  }
0x39: {  	s19 =	simm.s32 $0x0;
	s17 =	sand.u32 $0x4000, s25  }
0x3a: {  	s22 =	sand.u32 $0xC00, s19;
	s18 =	sor.u32 $0x400, s17;
	v3 =	vor.u32 $0x80, v1  }
0x3b: {  	s23 =	sand.u32 $0x70, s19;
	(ifvalue) =	ssetifvalue $0x7FFFFFFF;
	s22 =	sadd.s32 s22, s18;
	v3 =	vnsel vm1, $0x7FFFFFFF, v3  }
0x3c: {  	(ifvalue) =	ssetifvalue $0x7FFFFFFF;
	s22 =	sadd.s32 s23, s22  }
0x3d: {  	v4 =	vor.u32 $0x100, v1;
	[tilespmem:s22], [sflag:$0x1] =	stream.indirect_vreg.gather [hbm4b:s2+s13], $0x1, v2, vm0, $0x4038;
	[tilespmem:$0x8400] =	vst v63  }
0x3e: {  	(ifvalue) =	ssetifvalue $0x7FFFFFFF;
	v2 =	vnsel vm1, $0x7FFFFFFF, v4  }
0x3f: {  	s23 =	sadd.s32 $0x80, s22;
	(ifvalue) =	ssetifvalue $0x7FFFFFFF  }
0x40: {  	v36 =	vor.u32 $0x180, v1;
	[tilespmem:s23], [sflag:$0x1] =	stream.indirect_vreg.gather [hbm4b:s2+s13], $0x1, v3, vm0, $0x4038;
	[tilespmem:$0x8400] =	vst v63  }
0x41: {  	v3 =	vnsel vm1, $0x7FFFFFFF, v36;
	(ifvalue) =	ssetifvalue $0x7FFFFFFF  }
0x42: {  	s26 =	sadd.s32 $0x100, s22;
	(ifvalue) =	ssetifvalue $0x7FFFFFFF  }
0x43: {  	v37 =	vor.u32 $0x200, v1;
	[tilespmem:s26], [sflag:$0x1] =	stream.indirect_vreg.gather [hbm4b:s2+s13], $0x1, v2, vm0, $0x4038;
	[tilespmem:$0x8400] =	vst v63  }
0x44: {  	v2 =	vnsel vm1, $0x7FFFFFFF, v37;
	(ifvalue) =	ssetifvalue $0x7FFFFFFF  }
0x45: {  	s28 =	sadd.s32 $0x180, s22;
	(ifvalue) =	ssetifvalue $0x7FFFFFFF  }
0x46: {  	v38 =	vor.u32 $0x280, v1;
	[tilespmem:s28], [sflag:$0x1] =	stream.indirect_vreg.gather [hbm4b:s2+s13], $0x1, v3, vm0, $0x4038;
	[tilespmem:$0x8400] =	vst v63  }
0x47: {  	v3 =	vnsel vm1, $0x7FFFFFFF, v38;
	(ifvalue) =	ssetifvalue $0x7FFFFFFF  }
0x48: {  	s29 =	sadd.s32 $0x200, s22;
	(ifvalue) =	ssetifvalue $0x7FFFFFFF  }
0x49: {  	v39 =	vor.u32 $0x300, v1;
	[tilespmem:s29], [sflag:$0x1] =	stream.indirect_vreg.gather [hbm4b:s2+s13], $0x1, v2, vm0, $0x4038;
	[tilespmem:$0x8400] =	vst v63  }
0x4a: {  	v2 =	vnsel vm1, $0x7FFFFFFF, v39;
	(ifvalue) =	ssetifvalue $0x7FFFFFFF  }
0x4b: {  	s30 =	sadd.s32 $0x280, s22;
	(ifvalue) =	ssetifvalue $0x7FFFFFFF  }
0x4c: {  	v40 =	vor.u32 $0x380, v1;
	[tilespmem:s30], [sflag:$0x1] =	stream.indirect_vreg.gather [hbm4b:s2+s13], $0x1, v3, vm0, $0x4038;
	[tilespmem:$0x8400] =	vst v63  }
0x4d: {  	v3 =	vnsel vm1, $0x7FFFFFFF, v40;
	(ifvalue) =	ssetifvalue $0x7FFFFFFF  }
0x4e: {  	s19 =	sor.u32 s19, s19;
	s31 =	sadd.s32 $0x300, s22;
	(ifvalue) =	ssetifvalue $0x7FFFFFFF  }
0x4f: {  	v41 =	vadd.s32 $0x30E000, v1;
	[tilespmem:s31], [sflag:$0x1] =	stream.indirect_vreg.gather [hbm4b:s2+s13], $0x1, v2, vm0, $0x4038;
	[tilespmem:$0x8400] =	vst v63  }
0x50: {  	s19 =	sor.u32 $0x380, s19;
	v2 =	vnsel vm1, $0x7FFFFFFF, v41;
	(ifvalue) =	ssetifvalue $0x7FFFFFFF  }
0x51: {  	s19 =	sadd.s32 s19, s18;
	(ifvalue) =	ssetifvalue $0x7FFFFFFF  }
0x52: {  	v42 =	vadd.s32 $0x30E080, v1;
	[tilespmem:s19], [sflag:$0x1] =	stream.indirect_vreg.gather [hbm4b:s2+s13], $0x1, v3, vm0, $0x4038;
	[tilespmem:$0x8400] =	vst v63  }
0x53: {  	v3 =	vnsel vm1, $0x7FFFFFFF, v42;
	(ifvalue) =	ssetifvalue $0x7FFFFFFF  }
0x54: {  	s24 =	sadd.s32 $0x1000, s22;
	(ifvalue) =	ssetifvalue $0x7FFFFFFF  }
0x55: {  	v43 =	vadd.s32 $0x30E100, v1;
	[tilespmem:s24], [sflag:$0x1] =	stream.indirect_vreg.gather [hbm4b:s2+s13], $0x1, v2, vm0, $0x4038;
	[tilespmem:$0x8400] =	vst v63  }
0x56: {  	v2 =	vnsel vm1, $0x7FFFFFFF, v43;
	(ifvalue) =	ssetifvalue $0x7FFFFFFF  }
0x57: {  	s25 =	sadd.s32 $0x1080, s22;
	(ifvalue) =	ssetifvalue $0x7FFFFFFF  }
0x58: {  	v44 =	vadd.s32 $0x30E180, v1;
	[tilespmem:s25], [sflag:$0x1] =	stream.indirect_vreg.gather [hbm4b:s2+s13], $0x1, v3, vm0, $0x4038;
	[tilespmem:$0x8400] =	vst v63  }
0x59: {  	v3 =	vnsel vm1, $0x7FFFFFFF, v44;
	(ifvalue) =	ssetifvalue $0x7FFFFFFF  }
0x5a: {  	s26 =	sadd.s32 $0x1100, s22;
	(ifvalue) =	ssetifvalue $0x7FFFFFFF  }
0x5b: {  	v45 =	vadd.s32 $0x30E200, v1;
	[tilespmem:s26], [sflag:$0x1] =	stream.indirect_vreg.gather [hbm4b:s2+s13], $0x1, v2, vm0, $0x4038;
	[tilespmem:$0x8400] =	vst v63  }
0x5c: {  	v2 =	vnsel vm1, $0x7FFFFFFF, v45;
	(ifvalue) =	ssetifvalue $0x7FFFFFFF  }
0x5d: {  	s28 =	sadd.s32 $0x1180, s22;
	(ifvalue) =	ssetifvalue $0x7FFFFFFF  }
0x5e: {  	v46 =	vadd.s32 $0x30E280, v1;
	[tilespmem:s28], [sflag:$0x1] =	stream.indirect_vreg.gather [hbm4b:s2+s13], $0x1, v3, vm0, $0x4038;
	[tilespmem:$0x8400] =	vst v63  }
0x5f: {  	v3 =	vnsel vm1, $0x7FFFFFFF, v46;
	(ifvalue) =	ssetifvalue $0x7FFFFFFF  }
0x60: {  	s29 =	sadd.s32 $0x1200, s22;
	(ifvalue) =	ssetifvalue $0x7FFFFFFF  }
0x61: {  	v47 =	vadd.s32 $0x30E300, v1;
	[tilespmem:s29], [sflag:$0x1] =	stream.indirect_vreg.gather [hbm4b:s2+s13], $0x1, v2, vm0, $0x4038;
	[tilespmem:$0x8400] =	vst v63  }
0x62: {  	v2 =	vnsel vm1, $0x7FFFFFFF, v47;
	(ifvalue) =	ssetifvalue $0x7FFFFFFF  }
0x63: {  	s30 =	sadd.s32 $0x1280, s22;
	(ifvalue) =	ssetifvalue $0x7FFFFFFF  }
0x64: {  	v48 =	vadd.s32 $0x30E380, v1;
	[tilespmem:s30], [sflag:$0x1] =	stream.indirect_vreg.gather [hbm4b:s2+s13], $0x1, v3, vm0, $0x4038;
	[tilespmem:$0x8400] =	vst v63  }
0x65: {  	v3 =	vnsel vm1, $0x7FFFFFFF, v48;
	(ifvalue) =	ssetifvalue $0x7FFFFFFF  }
0x66: {  	s31 =	sadd.s32 $0x1300, s22;
	(ifvalue) =	ssetifvalue $0x7FFFFFFF  }
0x67: {  	v49 =	vadd.s32 $0x61C000, v1;
	[tilespmem:s31], [sflag:$0x1] =	stream.indirect_vreg.gather [hbm4b:s2+s13], $0x1, v2, vm0, $0x4038;
	[tilespmem:$0x8400] =	vst v63  }
0x68: {  	v2 =	vnsel vm1, $0x7FFFFFFF, v49;
	(ifvalue) =	ssetifvalue $0x7FFFFFFF  }
0x69: {  	s23 =	sadd.s32 $0x1380, s22;
	(ifvalue) =	ssetifvalue $0x7FFFFFFF  }
0x6a: {  	v50 =	vadd.s32 $0x61C080, v1;
	[tilespmem:s23], [sflag:$0x1] =	stream.indirect_vreg.gather [hbm4b:s2+s13], $0x1, v3, vm0, $0x4038;
	[tilespmem:$0x8400] =	vst v63  }
0x6b: {  	v3 =	vnsel vm1, $0x7FFFFFFF, v50;
	(ifvalue) =	ssetifvalue $0x7FFFFFFF  }
0x6c: {  	s24 =	sadd.s32 $0x2000, s22;
	(ifvalue) =	ssetifvalue $0x7FFFFFFF  }
0x6d: {  	v51 =	vadd.s32 $0x61C100, v1;
	[tilespmem:s24], [sflag:$0x1] =	stream.indirect_vreg.gather [hbm4b:s2+s13], $0x1, v2, vm0, $0x4038;
	[tilespmem:$0x8400] =	vst v63  }
0x6e: {  	v2 =	vnsel vm1, $0x7FFFFFFF, v51;
	(ifvalue) =	ssetifvalue $0x7FFFFFFF  }
0x6f: {  	s25 =	sadd.s32 $0x2080, s22;
	(ifvalue) =	ssetifvalue $0x7FFFFFFF  }
0x70: {  	v52 =	vadd.s32 $0x61C180, v1;
	[tilespmem:s25], [sflag:$0x1] =	stream.indirect_vreg.gather [hbm4b:s2+s13], $0x1, v3, vm0, $0x4038;
	[tilespmem:$0x8400] =	vst v63  }
0x71: {  	v3 =	vnsel vm1, $0x7FFFFFFF, v52;
	(ifvalue) =	ssetifvalue $0x7FFFFFFF  }
0x72: {  	s26 =	sadd.s32 $0x2100, s22;
	(ifvalue) =	ssetifvalue $0x7FFFFFFF  }
0x73: {  	v53 =	vadd.s32 $0x61C200, v1;
	[tilespmem:s26], [sflag:$0x1] =	stream.indirect_vreg.gather [hbm4b:s2+s13], $0x1, v2, vm0, $0x4038;
	[tilespmem:$0x8400] =	vst v63  }
0x74: {  	v2 =	vnsel vm1, $0x7FFFFFFF, v53;
	(ifvalue) =	ssetifvalue $0x7FFFFFFF  }
0x75: {  	s28 =	sadd.s32 $0x2180, s22;
	(ifvalue) =	ssetifvalue $0x7FFFFFFF  }
0x76: {  	v54 =	vadd.s32 $0x61C280, v1;
	[tilespmem:s28], [sflag:$0x1] =	stream.indirect_vreg.gather [hbm4b:s2+s13], $0x1, v3, vm0, $0x4038;
	[tilespmem:$0x8400] =	vst v63  }
0x77: {  	v3 =	vnsel vm1, $0x7FFFFFFF, v54;
	(ifvalue) =	ssetifvalue $0x7FFFFFFF  }
0x78: {  	s29 =	sadd.s32 $0x2200, s22;
	(ifvalue) =	ssetifvalue $0x7FFFFFFF  }
0x79: {  	v55 =	vadd.s32 $0x61C300, v1;
	[tilespmem:s29], [sflag:$0x1] =	stream.indirect_vreg.gather [hbm4b:s2+s13], $0x1, v2, vm0, $0x4038;
	[tilespmem:$0x8400] =	vst v63  }
0x7a: {  	v2 =	vnsel vm1, $0x7FFFFFFF, v55;
	(ifvalue) =	ssetifvalue $0x7FFFFFFF  }
0x7b: {  	s30 =	sadd.s32 $0x2280, s22;
	(ifvalue) =	ssetifvalue $0x7FFFFFFF  }
0x7c: {  	v56 =	vadd.s32 $0x61C380, v1;
	[tilespmem:s30], [sflag:$0x1] =	stream.indirect_vreg.gather [hbm4b:s2+s13], $0x1, v3, vm0, $0x4038;
	[tilespmem:$0x8400] =	vst v63  }
0x7d: {  	v3 =	vnsel vm1, $0x7FFFFFFF, v56;
	(ifvalue) =	ssetifvalue $0x7FFFFFFF  }
0x7e: {  	s31 =	sadd.s32 $0x2300, s22;
	(ifvalue) =	ssetifvalue $0x7FFFFFFF  }
0x7f: {  	v57 =	vadd.s32 $0x92A000, v1;
	[tilespmem:s31], [sflag:$0x1] =	stream.indirect_vreg.gather [hbm4b:s2+s13], $0x1, v2, vm0, $0x4038;
	[tilespmem:$0x8400] =	vst v63  }
0x80: {  	v2 =	vnsel vm1, $0x7FFFFFFF, v57;
	(ifvalue) =	ssetifvalue $0x7FFFFFFF  }
0x81: {  	s23 =	sadd.s32 $0x2380, s22;
	(ifvalue) =	ssetifvalue $0x7FFFFFFF  }
0x82: {  	v58 =	vadd.s32 $0x92A080, v1;
	[tilespmem:s23], [sflag:$0x1] =	stream.indirect_vreg.gather [hbm4b:s2+s13], $0x1, v3, vm0, $0x4038;
	[tilespmem:$0x8400] =	vst v63  }
0x83: {  	v3 =	vnsel vm1, $0x7FFFFFFF, v58;
	(ifvalue) =	ssetifvalue $0x7FFFFFFF  }
0x84: {  	s24 =	sadd.s32 $0x3000, s22;
	(ifvalue) =	ssetifvalue $0x7FFFFFFF  }
0x85: {  	v59 =	vadd.s32 $0x92A100, v1;
	[tilespmem:s24], [sflag:$0x1] =	stream.indirect_vreg.gather [hbm4b:s2+s13], $0x1, v2, vm0, $0x4038;
	[tilespmem:$0x8400] =	vst v63  }
0x86: {  	v2 =	vnsel vm1, $0x7FFFFFFF, v59;
	(ifvalue) =	ssetifvalue $0x7FFFFFFF  }
0x87: {  	s25 =	sadd.s32 $0x3080, s22;
	(ifvalue) =	ssetifvalue $0x7FFFFFFF  }
0x88: {  	v60 =	vadd.s32 $0x92A180, v1;
	[tilespmem:s25], [sflag:$0x1] =	stream.indirect_vreg.gather [hbm4b:s2+s13], $0x1, v3, vm0, $0x4038;
	[tilespmem:$0x8400] =	vst v63  }
0x89: {  	v3 =	vnsel vm1, $0x7FFFFFFF, v60;
	(ifvalue) =	ssetifvalue $0x7FFFFFFF  }
0x8a: {  	s26 =	sadd.s32 $0x3100, s22;
	(ifvalue) =	ssetifvalue $0x7FFFFFFF  }
0x8b: {  	v61 =	vadd.s32 $0x92A200, v1;
	[tilespmem:s26], [sflag:$0x1] =	stream.indirect_vreg.gather [hbm4b:s2+s13], $0x1, v2, vm0, $0x4038;
	[tilespmem:$0x8400] =	vst v63  }
0x8c: {  	v2 =	vnsel vm1, $0x7FFFFFFF, v61;
	(ifvalue) =	ssetifvalue $0x7FFFFFFF  }
0x8d: {  	s28 =	sadd.s32 $0x3180, s22;
	(ifvalue) =	ssetifvalue $0x7FFFFFFF  }
0x8e: {  	v62 =	vadd.s32 $0x92A280, v1;
	[tilespmem:s28], [sflag:$0x1] =	stream.indirect_vreg.gather [hbm4b:s2+s13], $0x1, v3, vm0, $0x4038;
	[tilespmem:$0x8400] =	vst v63  }
0x8f: {  	v3 =	vnsel vm1, $0x7FFFFFFF, v62;
	(ifvalue) =	ssetifvalue $0x7FFFFFFF  }
0x90: {  	s29 =	sadd.s32 $0x3200, s22;
	(ifvalue) =	ssetifvalue $0x7FFFFFFF  }
0x91: {  	v63 =	vadd.s32 $0x92A300, v1;
	[tilespmem:s29], [sflag:$0x1] =	stream.indirect_vreg.gather [hbm4b:s2+s13], $0x1, v2, vm0, $0x4038;
	[tilespmem:$0x8400] =	vst v63  }
0x92: {  	v2 =	vnsel vm1, $0x7FFFFFFF, v63;
	(ifvalue) =	ssetifvalue $0x7FFFFFFF  }
0x93: {  	s30 =	sadd.s32 $0x3280, s22;
	(ifvalue) =	ssetifvalue $0x7FFFFFFF  }
0x94: {  	v1 =	vadd.s32 $0x92A380, v1;
	[tilespmem:s30], [sflag:$0x1] =	stream.indirect_vreg.gather [hbm4b:s2+s13], $0x1, v3, vm0, $0x4038;
	[tilespmem:$0x8400] =	vst v63  }
0x95: {  	v1 =	vnsel vm1, $0x7FFFFFFF, v1;
	(ifvalue) =	ssetifvalue $0x7FFFFFFF  }
0x96: {  	s20 =	sadd.s32 $0x10, s20;
	s31 =	sadd.s32 $0x3300, s22;
	(ifvalue) =	ssetifvalue $0x7FFFFFFF  }
0x97: {  	[tilespmem:s31], [sflag:$0x1] =	stream.indirect_vreg.gather [hbm4b:s2+s13], $0x1, v2, vm0, $0x4038;
	[tilespmem:$0x8400] =	vst v63  }
0x98: {  	s21 =	sadd.s32 $0xFFFFFFF0, s21;
	s19 =	simm.s32 $0x80;
	(ifvalue) =	ssetifvalue $0x7FFFFFFF  }
0x99: {  	s23 =	sadd.s32 $0x3380, s22;
	s22 =	simm.s32 $0x10;
	(ifvalue) =	ssetifvalue $0x7FFFFFFF  }
.LBB2_3:
0x9a: {  	[tilespmem:s23], [sflag:$0x1] =	stream.indirect_vreg.gather [hbm4b:s2+s13], $0x1, v1, vm0, $0x4038;
	[tilespmem:$0x8400] =	vst v63  }
0x9b: {  	p1 =	sne.s32 s19, $0xF80;
	s24 =	smov.u32 s19;
	s19 =	sadd.s32 $0x80, s19;
	v1 =	vld.msk [tilespmem:s20+$0x0 ss:$0x1], $0xffff  }
0x9c: {  	(ifvalue) =	ssetifvalue $0x7FFFFFFF;
	_ =	sdelay $0x3  }
0x9d: {  	vm1 =	vgt.s32 v1, $0x0  }
0x9e: {  	p2 =	sgt.s32 s21, $0x0;
	s23 =	smov.u32 s21;
	v1 =	vnsel vm1, $0x0, v1  }
0x9f: {  	s23 =	simm.s32 @!p2 $0x0;
	v1 =	vmin.u32 v1, $0x61BFF  }
0xa0: {  	s23 =	smin.u32 s23, $0x10;
	v2 =	vshll.u32 v1, $0x3  }
0xa1: {  	v3 =	vmov s23;
	v1 =	vand.u32 $0x7F, v1;
	v2 =	vand.u32 $0x3FFC00, v2  }
0xa2: {  	vm1 =	vgt.u32 v3, v0;
	v1 =	vor.u32 v1, v2  }
0xa3: {  	v2 =	vnsel vm1, $0x7FFFFFFF, v1;
	v3 =	vor.u32 $0x80, v1  }
0xa4: {  	v4 =	vor.u32 $0x100, v1;
	v5 =	vor.u32 $0x180, v1;
	v6 =	vor.u32 $0x200, v1  }
0xa5: {  	v7 =	vor.u32 $0x280, v1;
	v8 =	vor.u32 $0x300, v1;
	v9 =	vor.u32 $0x380, v1  }
0xa6: {  	s23 =	sand.u32 $0xC00, s24;
	v5 =	vnsel vm1, $0x7FFFFFFF, v5;
	v6 =	vnsel vm1, $0x7FFFFFFF, v6;
	v7 =	vnsel vm1, $0x7FFFFFFF, v7  }
0xa7: {  	s25 =	sand.u32 $0x70, s22;
	s23 =	sadd.s32 s23, s18;
	v3 =	vnsel vm1, $0x7FFFFFFF, v3;
	v16 =	vnsel vm1, $0x7FFFFFFF, v8;
	v8 =	vadd.s32 $0x30E000, v1  }
0xa8: {  	s23 =	sadd.s32 s25, s23;
	v17 =	vnsel vm1, $0x7FFFFFFF, v9;
	v18 =	vnsel vm1, $0x7FFFFFFF, v8;
	(ifvalue) =	ssetifvalue $0x7FFFFFFF  }
0xa9: {  	v8 =	vadd.s32 $0x30E100, v1;
	[tilespmem:s23], [sflag:$0x1] =	stream.indirect_vreg.gather [hbm4b:s2+s13], $0x1, v2, vm0, $0x4038;
	v2 =	vadd.s32 $0x30E080, v1;
	[tilespmem:$0x8400] =	vst v63  }
0xaa: {  	v4 =	vnsel vm1, $0x7FFFFFFF, v4;
	v20 =	vnsel vm1, $0x7FFFFFFF, v8;
	(ifvalue) =	ssetifvalue $0x7FFFFFFF;
	v19 =	vnsel vm1, $0x7FFFFFFF, v2  }
0xab: {  	s25 =	sadd.s32 $0x80, s23;
	v8 =	vadd.s32 $0x30E200, v1;
	v2 =	vadd.s32 $0x30E180, v1;
	(ifvalue) =	ssetifvalue $0x7FFFFFFF  }
0xac: {  	v22 =	vnsel vm1, $0x7FFFFFFF, v8;
	v21 =	vnsel vm1, $0x7FFFFFFF, v2;
	v2 =	vadd.s32 $0x30E280, v1;
	[tilespmem:s25], [sflag:$0x1] =	stream.indirect_vreg.gather [hbm4b:s2+s13], $0x1, v3, vm0, $0x4038;
	[tilespmem:$0x8400] =	vst v63  }
0xad: {  	v27 =	vadd.s32 $0x92A280, v1;
	v23 =	vnsel vm1, $0x7FFFFFFF, v2;
	v2 =	vadd.s32 $0x30E300, v1;
	(ifvalue) =	ssetifvalue $0x7FFFFFFF  }
0xae: {  	s25 =	sadd.s32 $0x100, s23;
	v3 =	vadd.s32 $0x61C080, v1;
	v24 =	vnsel vm1, $0x7FFFFFFF, v2;
	v2 =	vadd.s32 $0x30E380, v1;
	(ifvalue) =	ssetifvalue $0x7FFFFFFF  }
0xaf: {  	v14 =	vnsel vm1, $0x7FFFFFFF, v3;
	v25 =	vnsel vm1, $0x7FFFFFFF, v2;
	v2 =	vadd.s32 $0x61C000, v1;
	[tilespmem:s25], [sflag:$0x1] =	stream.indirect_vreg.gather [hbm4b:s2+s13], $0x1, v4, vm0, $0x4038;
	[tilespmem:$0x8400] =	vst v63  }
0xb0: {  	v3 =	vadd.s32 $0x61C180, v1;
	v26 =	vnsel vm1, $0x7FFFFFFF, v2;
	v2 =	vadd.s32 $0x61C100, v1;
	(ifvalue) =	ssetifvalue $0x7FFFFFFF  }
0xb1: {  	v15 =	vnsel vm1, $0x7FFFFFFF, v3;
	s25 =	sadd.s32 $0x180, s23;
	v13 =	vnsel vm1, $0x7FFFFFFF, v2;
	v2 =	vadd.s32 $0x92A000, v1;
	(ifvalue) =	ssetifvalue $0x7FFFFFFF  }
0xb2: {  	v4 =	vadd.s32 $0x61C200, v1;
	[tilespmem:s25], [sflag:$0x1] =	stream.indirect_vreg.gather [hbm4b:s2+s13], $0x1, v5, vm0, $0x4038;
	v5 =	vadd.s32 $0x61C280, v1;
	[tilespmem:$0x8400] =	vst v63  }
0xb3: {  	v3 =	vadd.s32 $0x61C300, v1;
	v12 =	vnsel vm1, $0x7FFFFFFF, v4;
	(ifvalue) =	ssetifvalue $0x7FFFFFFF;
	v10 =	vnsel vm1, $0x7FFFFFFF, v5  }
0xb4: {  	v11 =	vnsel vm1, $0x7FFFFFFF, v3;
	s25 =	sadd.s32 $0x200, s23;
	v5 =	vnsel vm1, $0x7FFFFFFF, v2;
	(ifvalue) =	ssetifvalue $0x7FFFFFFF  }
0xb5: {  	v3 =	vadd.s32 $0x92A080, v1;
	v2 =	vadd.s32 $0x61C380, v1;
	[tilespmem:s25], [sflag:$0x1] =	stream.indirect_vreg.gather [hbm4b:s2+s13], $0x1, v6, vm0, $0x4038;
	[tilespmem:$0x8400] =	vst v63  }
0xb6: {  	v8 =	vnsel vm1, $0x7FFFFFFF, v3;
	v9 =	vnsel vm1, $0x7FFFFFFF, v2;
	v2 =	vadd.s32 $0x92A100, v1;
	(ifvalue) =	ssetifvalue $0x7FFFFFFF  }
0xb7: {  	s25 =	sadd.s32 $0x280, s23;
	v6 =	vnsel vm1, $0x7FFFFFFF, v2;
	(ifvalue) =	ssetifvalue $0x7FFFFFFF  }
0xb8: {  	v3 =	vadd.s32 $0x92A200, v1;
	v2 =	vadd.s32 $0x92A180, v1;
	[tilespmem:s25], [sflag:$0x1] =	stream.indirect_vreg.gather [hbm4b:s2+s13], $0x1, v7, vm0, $0x4038;
	[tilespmem:$0x8400] =	vst v63  }
0xb9: {  	v4 =	vnsel vm1, $0x7FFFFFFF, v3;
	v7 =	vnsel vm1, $0x7FFFFFFF, v2;
	v2 =	vnsel vm1, $0x7FFFFFFF, v27;
	(ifvalue) =	ssetifvalue $0x7FFFFFFF  }
0xba: {  	s24 =	sor.u32 s24, s22;
	v3 =	vadd.s32 $0x92A300, v1;
	s25 =	sadd.s32 $0x300, s23;
	(ifvalue) =	ssetifvalue $0x7FFFFFFF  }
0xbb: {  	v3 =	vnsel vm1, $0x7FFFFFFF, v3;
	v1 =	vadd.s32 $0x92A380, v1;
	[tilespmem:s25], [sflag:$0x1] =	stream.indirect_vreg.gather [hbm4b:s2+s13], $0x1, v16, vm0, $0x4038;
	[tilespmem:$0x8400] =	vst v63  }
0xbc: {  	s24 =	sor.u32 $0x380, s24;
	v1 =	vnsel vm1, $0x7FFFFFFF, v1;
	(ifvalue) =	ssetifvalue $0x7FFFFFFF  }
0xbd: {  	s24 =	sadd.s32 s24, s18;
	(ifvalue) =	ssetifvalue $0x7FFFFFFF  }
0xbe: {  	[tilespmem:s24], [sflag:$0x1] =	stream.indirect_vreg.gather [hbm4b:s2+s13], $0x1, v17, vm0, $0x4038;
	[tilespmem:$0x8400] =	vst v63  }
0xbf: {  	(ifvalue) =	ssetifvalue $0x7FFFFFFF  }
0xc0: {  	s24 =	sadd.s32 $0x1000, s23;
	(ifvalue) =	ssetifvalue $0x7FFFFFFF  }
0xc1: {  	[tilespmem:s24], [sflag:$0x1] =	stream.indirect_vreg.gather [hbm4b:s2+s13], $0x1, v18, vm0, $0x4038;
	[tilespmem:$0x8400] =	vst v63  }
0xc2: {  	(ifvalue) =	ssetifvalue $0x7FFFFFFF  }
0xc3: {  	s24 =	sadd.s32 $0x1080, s23;
	(ifvalue) =	ssetifvalue $0x7FFFFFFF  }
0xc4: {  	[tilespmem:s24], [sflag:$0x1] =	stream.indirect_vreg.gather [hbm4b:s2+s13], $0x1, v19, vm0, $0x4038;
	[tilespmem:$0x8400] =	vst v63  }
0xc5: {  	(ifvalue) =	ssetifvalue $0x7FFFFFFF  }
0xc6: {  	s24 =	sadd.s32 $0x1100, s23;
	(ifvalue) =	ssetifvalue $0x7FFFFFFF  }
0xc7: {  	[tilespmem:s24], [sflag:$0x1] =	stream.indirect_vreg.gather [hbm4b:s2+s13], $0x1, v20, vm0, $0x4038;
	[tilespmem:$0x8400] =	vst v63  }
0xc8: {  	(ifvalue) =	ssetifvalue $0x7FFFFFFF  }
0xc9: {  	s24 =	sadd.s32 $0x1180, s23;
	(ifvalue) =	ssetifvalue $0x7FFFFFFF  }
0xca: {  	[tilespmem:s24], [sflag:$0x1] =	stream.indirect_vreg.gather [hbm4b:s2+s13], $0x1, v21, vm0, $0x4038;
	[tilespmem:$0x8400] =	vst v63  }
0xcb: {  	(ifvalue) =	ssetifvalue $0x7FFFFFFF  }
0xcc: {  	s24 =	sadd.s32 $0x1200, s23;
	(ifvalue) =	ssetifvalue $0x7FFFFFFF  }
0xcd: {  	[tilespmem:s24], [sflag:$0x1] =	stream.indirect_vreg.gather [hbm4b:s2+s13], $0x1, v22, vm0, $0x4038;
	[tilespmem:$0x8400] =	vst v63  }
0xce: {  	(ifvalue) =	ssetifvalue $0x7FFFFFFF  }
0xcf: {  	s24 =	sadd.s32 $0x1280, s23;
	(ifvalue) =	ssetifvalue $0x7FFFFFFF  }
0xd0: {  	[tilespmem:s24], [sflag:$0x1] =	stream.indirect_vreg.gather [hbm4b:s2+s13], $0x1, v23, vm0, $0x4038;
	[tilespmem:$0x8400] =	vst v63  }
0xd1: {  	(ifvalue) =	ssetifvalue $0x7FFFFFFF  }
0xd2: {  	s24 =	sadd.s32 $0x1300, s23;
	(ifvalue) =	ssetifvalue $0x7FFFFFFF  }
0xd3: {  	[tilespmem:s24], [sflag:$0x1] =	stream.indirect_vreg.gather [hbm4b:s2+s13], $0x1, v24, vm0, $0x4038;
	[tilespmem:$0x8400] =	vst v63  }
0xd4: {  	(ifvalue) =	ssetifvalue $0x7FFFFFFF  }
0xd5: {  	s24 =	sadd.s32 $0x1380, s23;
	(ifvalue) =	ssetifvalue $0x7FFFFFFF  }
0xd6: {  	[tilespmem:s24], [sflag:$0x1] =	stream.indirect_vreg.gather [hbm4b:s2+s13], $0x1, v25, vm0, $0x4038;
	[tilespmem:$0x8400] =	vst v63  }
0xd7: {  	(ifvalue) =	ssetifvalue $0x7FFFFFFF  }
0xd8: {  	s24 =	sadd.s32 $0x2000, s23;
	(ifvalue) =	ssetifvalue $0x7FFFFFFF  }
0xd9: {  	[tilespmem:s24], [sflag:$0x1] =	stream.indirect_vreg.gather [hbm4b:s2+s13], $0x1, v26, vm0, $0x4038;
	[tilespmem:$0x8400] =	vst v63  }
0xda: {  	(ifvalue) =	ssetifvalue $0x7FFFFFFF  }
0xdb: {  	s24 =	sadd.s32 $0x2080, s23;
	(ifvalue) =	ssetifvalue $0x7FFFFFFF  }
0xdc: {  	[tilespmem:s24], [sflag:$0x1] =	stream.indirect_vreg.gather [hbm4b:s2+s13], $0x1, v14, vm0, $0x4038;
	[tilespmem:$0x8400] =	vst v63  }
0xdd: {  	(ifvalue) =	ssetifvalue $0x7FFFFFFF  }
0xde: {  	s24 =	sadd.s32 $0x2100, s23;
	(ifvalue) =	ssetifvalue $0x7FFFFFFF  }
0xdf: {  	[tilespmem:s24], [sflag:$0x1] =	stream.indirect_vreg.gather [hbm4b:s2+s13], $0x1, v13, vm0, $0x4038;
	[tilespmem:$0x8400] =	vst v63  }
0xe0: {  	(ifvalue) =	ssetifvalue $0x7FFFFFFF  }
0xe1: {  	s24 =	sadd.s32 $0x2180, s23;
	(ifvalue) =	ssetifvalue $0x7FFFFFFF  }
0xe2: {  	[tilespmem:s24], [sflag:$0x1] =	stream.indirect_vreg.gather [hbm4b:s2+s13], $0x1, v15, vm0, $0x4038;
	[tilespmem:$0x8400] =	vst v63  }
0xe3: {  	(ifvalue) =	ssetifvalue $0x7FFFFFFF  }
0xe4: {  	s24 =	sadd.s32 $0x2200, s23;
	(ifvalue) =	ssetifvalue $0x7FFFFFFF  }
0xe5: {  	[tilespmem:s24], [sflag:$0x1] =	stream.indirect_vreg.gather [hbm4b:s2+s13], $0x1, v12, vm0, $0x4038;
	[tilespmem:$0x8400] =	vst v63  }
0xe6: {  	(ifvalue) =	ssetifvalue $0x7FFFFFFF  }
0xe7: {  	s24 =	sadd.s32 $0x2280, s23;
	(ifvalue) =	ssetifvalue $0x7FFFFFFF  }
0xe8: {  	[tilespmem:s24], [sflag:$0x1] =	stream.indirect_vreg.gather [hbm4b:s2+s13], $0x1, v10, vm0, $0x4038;
	[tilespmem:$0x8400] =	vst v63  }
0xe9: {  	(ifvalue) =	ssetifvalue $0x7FFFFFFF  }
0xea: {  	s24 =	sadd.s32 $0x2300, s23;
	(ifvalue) =	ssetifvalue $0x7FFFFFFF  }
0xeb: {  	[tilespmem:s24], [sflag:$0x1] =	stream.indirect_vreg.gather [hbm4b:s2+s13], $0x1, v11, vm0, $0x4038;
	[tilespmem:$0x8400] =	vst v63  }
0xec: {  	(ifvalue) =	ssetifvalue $0x7FFFFFFF  }
0xed: {  	s24 =	sadd.s32 $0x2380, s23;
	(ifvalue) =	ssetifvalue $0x7FFFFFFF  }
0xee: {  	[tilespmem:s24], [sflag:$0x1] =	stream.indirect_vreg.gather [hbm4b:s2+s13], $0x1, v9, vm0, $0x4038;
	[tilespmem:$0x8400] =	vst v63  }
0xef: {  	(ifvalue) =	ssetifvalue $0x7FFFFFFF  }
0xf0: {  	s24 =	sadd.s32 $0x3000, s23;
	(ifvalue) =	ssetifvalue $0x7FFFFFFF  }
0xf1: {  	[tilespmem:s24], [sflag:$0x1] =	stream.indirect_vreg.gather [hbm4b:s2+s13], $0x1, v5, vm0, $0x4038;
	[tilespmem:$0x8400] =	vst v63  }
0xf2: {  	(ifvalue) =	ssetifvalue $0x7FFFFFFF  }
0xf3: {  	s24 =	sadd.s32 $0x3080, s23;
	(ifvalue) =	ssetifvalue $0x7FFFFFFF  }
0xf4: {  	[tilespmem:s24], [sflag:$0x1] =	stream.indirect_vreg.gather [hbm4b:s2+s13], $0x1, v8, vm0, $0x4038;
	[tilespmem:$0x8400] =	vst v63  }
0xf5: {  	(ifvalue) =	ssetifvalue $0x7FFFFFFF  }
0xf6: {  	s24 =	sadd.s32 $0x3100, s23;
	(ifvalue) =	ssetifvalue $0x7FFFFFFF  }
0xf7: {  	[tilespmem:s24], [sflag:$0x1] =	stream.indirect_vreg.gather [hbm4b:s2+s13], $0x1, v6, vm0, $0x4038;
	[tilespmem:$0x8400] =	vst v63  }
0xf8: {  	(ifvalue) =	ssetifvalue $0x7FFFFFFF  }
0xf9: {  	s24 =	sadd.s32 $0x3180, s23;
	(ifvalue) =	ssetifvalue $0x7FFFFFFF  }
0xfa: {  	[tilespmem:s24], [sflag:$0x1] =	stream.indirect_vreg.gather [hbm4b:s2+s13], $0x1, v7, vm0, $0x4038;
	[tilespmem:$0x8400] =	vst v63  }
0xfb: {  	(ifvalue) =	ssetifvalue $0x7FFFFFFF  }
0xfc: {  	s24 =	sadd.s32 $0x3200, s23;
	(ifvalue) =	ssetifvalue $0x7FFFFFFF  }
0xfd: {  	[tilespmem:s24], [sflag:$0x1] =	stream.indirect_vreg.gather [hbm4b:s2+s13], $0x1, v4, vm0, $0x4038;
	[tilespmem:$0x8400] =	vst v63  }
0xfe: {  	(ifvalue) =	ssetifvalue $0x7FFFFFFF  }
0xff: {  	s24 =	sadd.s32 $0x3280, s23;
	(ifvalue) =	ssetifvalue $0x7FFFFFFF  }
0x100: {  	[tilespmem:s24], [sflag:$0x1] =	stream.indirect_vreg.gather [hbm4b:s2+s13], $0x1, v2, vm0, $0x4038;
	[tilespmem:$0x8400] =	vst v63  }
.Ltmp3:
0x101: {  	(ifvalue) =	ssetifvalue $0x7FFFFFFF;
	(pc) =	sbr.rel @p1 .LBB2_3-.Ltmp3, $4  }
0x102: {  	s24 =	sadd.s32 $0x3300, s23;
	(ifvalue) =	ssetifvalue $0x7FFFFFFF  }
0x103: {  	[tilespmem:s24], [sflag:$0x1] =	stream.indirect_vreg.gather [hbm4b:s2+s13], $0x1, v3, vm0, $0x4038;
	[tilespmem:$0x8400] =	vst v63  }
0x104: {  	s21 =	sadd.s32 $0xFFFFFFF0, s21;
	s20 =	sadd.s32 $0x10, s20;
	(ifvalue) =	ssetifvalue $0x7FFFFFFF  }
0x105: {  	s22 =	sadd.s32 $0x10, s22;
	s23 =	sadd.s32 $0x3380, s23;
	(ifvalue) =	ssetifvalue $0x7FFFFFFF  }
.Ltmp4:
0x106: {  	_ = 	snop;
	(pc) =	sbr.rel .LBB2_4-.Ltmp4, $1  }
0x107: {  	_ =	sdelay $0x3  }
.LBB2_6:
0x108: {  	_ =	sfence.sel $0x180000  }
0x109: {  	s2 =	simm.s32 $0x2;
	[bflag:$0x0] =	sbarrier.arrive $0xFFFF  }
0x10a: {  	s30 =	simm.s32 $0x3;
	[sflag:s2] =	ssyncpa.u1 $0x1  }
0x10b: {  	s31 =	simm.s32 $0x1;
	[sflag:s30] =	ssyncpa.u1 $0x1  }
0x10c: {  	[sflag:s31] =	ssyncpa.u1 $0x1  }
0x10d: {  	p0 =	sne.s32 s1, $0x0;
	_ =	strace $0x90000047  }
0x10e: {  	s0 =	sadd.s32 @!p0 $0x100000, s0;
	[bflag:$0x2] =	sbarrier.arrive $0xFFFF  }
0x10f: {  	[sflag:s0] =	ssyncadd.tile.s32 @!p0 $0x1;
	_ =	shalt  }
.Lfunc_end2:
_tile_overlayer_lowered:
.L_overlay_start_2:
0x110: {  	(tag) =	ssettag $0x2  }
0x111: {  	s0 =	rddreg [dreg:$0x0];
	s2 =	stileid.u32  }
0x112: {  	s1 =	rddreg [dreg:$0x1];
	p0 =	sne.s32 s2, $0x0  }
0x113: {  	s3 =	rddreg [dreg:$0x2];
	[bflag:$0x3] =	sbarrier.arrive $0xFFFF;
	s2 =	simm.s32 @!p0 $0x1C01  }
0x114: {  	[timem:s3], [sflag:s2] =	dma.local @!p0 [hbm:s0], s1  }
0x115: {  	s0 =	simm.s32 @!p0 $0x1  }
0x116: {  	_ =	swait.ge @!p0 [sflag:s0], s1  }
0x117: {  	s1 =	ssub.s32 @!p0 $0x0, s1;
	[sflag:s0] =	ssyncset.done @!p0 $0x0  }
0x118: {  	[sflag:s0] =	ssyncadd.s32 @!p0 s1  }
0x119: {  	[bflag:$0x3] =	sbarrier.arrive $0xFFFF  }
0x11a: {  	_ =	shalt  }

// kernel: sparse-core-data-format-call.1.cloned.1.call-start
scs
called_computation.1_lowered:
.L_overlay_start_0:
0x0: {  	s1 =	sld [smem:$0x3FD9]  }
0x1: {  	s2 =	sld [smem:$0x3FFE];
	_ =	sdelay $0x1  }
0x2: {  	s3 =	srdreg.scid  }
0x3: {  	s0 =	sand.u32 $0x1, s3  }
0x4: {  	s17 =	sshll.u32 s0, $0xA;
	s1 =	sadd.s32 s2, s1  }
0x5: {  	s1 =	sadd.s32 s1, s17  }
0x6: {  	[smem:$0x3FC6] =	sst s1  }
0x7: {  	_ = 	snop  }
0x8: {  	(tm) =	ssettm $0x1  }
0x9: {  	s18 =	sld [smem:$0x3FFB];
	_ =	sdelay $0x3  }
0xa: {  	_ =	strace s18  }
0xb: {  	s1 =	sld [smem:$0x3FFC];
	_ =	sdelay $0x3  }
0xc: {  	_ =	strace s1  }
0xd: {  	s1 =	sld [smem:$0x3FFD];
	_ =	sdelay $0x3  }
0xe: {  	_ =	strace s1  }
0xf: {  	_ =	strace $0x8FFFFFFF  }
0x10: {  	s19 =	sld [smem:$0x3FDB];
	_ =	sdelay $0x1  }
0x11: {  	s20 =	simm.s32 $_scs_section_size  }
0x12: {  	s4 =	simm.s32 $_size__tile_overlayer_lowered;
	s5 =	simm.s32 $_tile_overlayer_lowered  }
0x13: {  	s23 =	simm.s32 $0x1BFF;
	s22 =	sshll.u32 s5, $0x1;
	s1 =	sadd.s32 s20, s19  }
0x14: {  	s6 =	simm.s32 $0x0;
	s21 =	sshll.u32 s4, $0x1;
	s4 =	sadd.s32 s22, s1  }
0x15: {  	[timem:s6], [sflag:s23] =	dma.local [hbm:s4], s21  }
0x16: {  	_ =	swait.ge [sflag:s23], s21  }
0x17: {  	s2 =	ssub.s32 $0x0, s21;
	[sflag:s23] =	ssyncset.done $0x0  }
0x18: {  	[sflag:s23] =	ssyncadd.s32 s2;
	_ =	sdelay $0x1  }
0x19: {  	s24 =	simm.s32 $0x1B8B  }
0x1a: {  	_ =	swait.ge [sflag:s24], $0x1  }
0x1b: {  	[sflag:s24] =	ssyncset.done $0x0  }
0x1c: {  	s26 =	simm.s32 $0x1B8E;
	s25 =	sld [smem:$0x3FFE];
	[sflag:s24] =	ssyncadd.s32 $0xFFFFFFFF  }
0x1d: {  	s27 =	simm.s32 $execute0_lowered;
	[smem:$0x3FD2] =	sst s26  }
0x1e: {  	s4 =	sshll.u32 s27, $0x1;
	_ =	strace $0x80000049;
	[dreg:$0x1] =	wrdreg $0xFFFFFFFF  }
0x1f: {  	s28 =	simm.s32 $_size_execute0_lowered;
	s1 =	sadd.s32 s1, s4;
	[dreg:$0x0] =	wrdreg $0x0  }
0x20: {  	s4 =	sshll.u32 s28, $0x1;
	[dreg:$0x2] =	wrdreg s1  }
0x21: {  	[dreg:$0x3] =	wrdreg s4  }
0x22: {  	[dreg:$0x4] =	wrdreg $0xC0  }
0x23: {  	_ =	task [dreg:s6], $0x5FFFF  }
0x24: {  	[dreg:$0x1] =	wrdreg $0xFFFFFFFF  }
0x25: {  	[dreg:$0x0] =	wrdreg $0x60  }
0x26: {  	[dreg:$0x2] =	wrdreg s25  }
0x27: {  	[dreg:$0x3] =	wrdreg $0x9  }
0x28: {  	_ =	task.clear_ibuf [dreg:s6], $0x4FFFF;
	_ =	strace $0x90000049  }
0x29: {  	s29 =	simm.s32 $0x9;
	_ =	strace $0x8000004B  }
0x2a: {  	_ =	swait.ge [sflag:s29], $0x1  }
0x2b: {  	[sflag:s29] =	ssyncadd.s32 $0xFFFFFFFF  }
0x2c: {  	_ =	strace $0x9000004B  }
0x2d: {  	_ =	sfence  }
0x2e: {  	s30 =	sld [smem:$0x0];
	_ =	sdelay $0x2  }
0x2f: {  	s31 =	sshll.u32 s3, $0xD;
	s3 =	sshrl.u32 s3, $0x2  }
0x30: {  	s2 =	sand.u32 $0x4000, s31;
	s1 =	sadd.s32 s3, s30  }
0x31: {  	s0 =	sor.u32 s2, s0;
	s1 =	sshll.u32 s1, $0x11  }
0x32: {  	s0 =	sor.u32 s1, s0  }
0x33: {  	s0 =	sadd.s32 $0x8F2B, s0  }
0x34: {  	[sflag:s0] =	ssyncadd.remote.s32 $0x1  }
0x35: {  	_ =	sfence.sel $0xFFFF  }
0x36: {  	[dreg:$0x0] =	wrdreg $0xFFFFFFFF;
	(pc) =	sbr.abs _section_cstart, $3  }
0x37: {  	[dreg:$0x1] =	wrdreg $0xFFFFFFFF  }
0x38: {  	_ =	task.clear_ibuf [dreg:s6], $0x2FFFF;
	_ =	strace $0x9FFFFFFF  }
0x39: {  	(tm) =	ssettm $0x7FFFFFFF  }
tec
execute0_lowered:
.L_overlay_start_1:
0x0: {  	(tag) =	ssettag $0x1  }
0x1: {  	s0 =	srdreg.scid  }
0x2: {  	s6 =	rddreg [dreg:$0x0];
	s7 =	simm.s32 $0x1;
	s1 =	sshll.u32 s0, $0x4  }
0x3: {  	s8 =	simm.s32 $0x2;
	s0 =	stileid.u32;
	s1 =	sand.u32 $0x10, s1  }
0x4: {  	s13 =	simm.s32 $0x0;
	s12 =	simm.s32 $0x0;
	s1 =	sor.u32 s0, s1  }
0x5: {  	s10 =	simm.s32 $0x0;
	s11 =	simm.s32 $0x0;
	s2 =	sshll.u32 s1, $0x9  }
0x6: {  	s3 =	sadd.s32 $0x1A0000, s6;
	s6 =	sadd.s32 $0x333400, s6;
	s5 =	ssub.s32 $0x61C00, s2  }
.Ltmp0:
0x7: {  	s1 =	rddreg [dreg:$0x1];
	s4 =	sand.u32 $0x3E00, s5;
	(pc) =	sbr.rel .LBB1_1-.Ltmp0, $4  }
0x8: {  	_ =	strace $0x8000004A;
	s9 =	smov.u32 s2;
	p0 =	sne.s32 s4, $0x0  }
0x9: {  	s5 =	sshrl.u32 s5, $0xE;
	s4 =	simm.s32 $0x1;
	s7 =	simm.s32 @!p0 $0x0  }
0xa: {  	[sflag:s4] =	ssyncpa.u1 $0x0;
	p0 =	por $0x0, $0x0;
	s5 =	sadd.s32 s7, s5  }
0xb: {  	[sflag:s8] =	ssyncpa.u1 $0x0;
	s8 =	simm.s32 $0x80;
	s7 =	sadd.s32 $0x1, s5  }
.LBB1_4:
0xc: {  	_ = 	snop  }
0xd: {  	[tilespmem:s18+$0x2D60 ss:$0x21] =	vst.msk $0xffff, v7  }
0xe: {  	[tilespmem:s18+$0x2F70 ss:$0x21] =	vst.msk $0xffff, v6  }
0xf: {  	[tilespmem:s18+$0x3390 ss:$0x21] =	vst.msk $0xffff, v3  }
0x10: {  	s21 =	sor.u32 s24, s23;
	v31 =	vld.idx.msk [tilespmem:v0+s16+$0xC70 ss:$0x1], $0xffff;
	[tilespmem:s18+$0x35A0 ss:$0x21] =	vst.msk $0xffff, v1  }
0x11: {  	[tilespmem:s18+$0x37B0 ss:$0x21] =	vst.msk $0xffff, v2;
	v43 =	vld.idx.msk [tilespmem:v0+s21+$0x410 ss:$0x1], $0xffff  }
0x12: {  	[tilespmem:s18+$0x39C0 ss:$0x21] =	vst.msk $0xffff, v4;
	v44 =	vld.idx.msk [tilespmem:v0+s21+$0x420 ss:$0x1], $0xffff  }
0x13: {  	[tilespmem:s18+$0x3BD0 ss:$0x21] =	vst.msk $0xffff, v5;
	s22 =	sand.u32 $0x3200, s21;
	v45 =	vld.idx.msk [tilespmem:v0+s21+$0x430 ss:$0x1], $0xffff  }
0x14: {  	s20 =	sand.u32 $0x180, s20;
	s25 =	sshra.s32 s19, $0x2;
	[tilespmem:s18+$0x3DE0 ss:$0x21] =	vst.msk $0xffff, v8;
	v46 =	vld.idx.msk [tilespmem:v0+s21+$0x440 ss:$0x1], $0xffff;
	s15 =	sadd.s32 s22, s15  }
0x15: {  	v47 =	vld.idx.msk [tilespmem:v0+s21+$0x450 ss:$0x1], $0xffff;
	s24 =	sadd.s32 s20, s15;
	s15 =	sadd.s32 s25, s17;
	[tilespmem:s18+$0x3FF0 ss:$0x21] =	vst.msk $0xffff, v31  }
0x16: {  	v48 =	vld.idx.msk [tilespmem:v0+s21+$0x460 ss:$0x1], $0xffff;
	[tilespmem:s15+$0x1290 ss:$0x21] =	vst.msk $0xffff, v43  }
0x17: {  	v49 =	vld.idx.msk [tilespmem:v0+s21+$0x470 ss:$0x1], $0xffff;
	[tilespmem:s15+$0x14A0 ss:$0x21] =	vst.msk $0xffff, v44  }
0x18: {  	v50 =	vld.idx.msk [tilespmem:v0+s21+$0x810 ss:$0x1], $0xffff;
	[tilespmem:s15+$0x16B0 ss:$0x21] =	vst.msk $0xffff, v45  }
0x19: {  	v51 =	vld.idx.msk [tilespmem:v0+s21+$0x820 ss:$0x1], $0xffff;
	[tilespmem:s15+$0x18C0 ss:$0x21] =	vst.msk $0xffff, v46  }
0x1a: {  	v52 =	vld.idx.msk [tilespmem:v0+s21+$0x830 ss:$0x1], $0xffff;
	[tilespmem:s15+$0x1AD0 ss:$0x21] =	vst.msk $0xffff, v47  }
0x1b: {  	v53 =	vld.idx.msk [tilespmem:v0+s21+$0x840 ss:$0x1], $0xffff;
	[tilespmem:s15+$0x1CE0 ss:$0x21] =	vst.msk $0xffff, v48  }
0x1c: {  	v54 =	vld.idx.msk [tilespmem:v0+s21+$0x850 ss:$0x1], $0xffff;
	[tilespmem:s15+$0x1EF0 ss:$0x21] =	vst.msk $0xffff, v49  }
0x1d: {  	v55 =	vld.idx.msk [tilespmem:v0+s21+$0x860 ss:$0x1], $0xffff;
	[tilespmem:s15+$0x2310 ss:$0x21] =	vst.msk $0xffff, v50  }
0x1e: {  	v56 =	vld.idx.msk [tilespmem:v0+s21+$0x870 ss:$0x1], $0xffff;
	[tilespmem:s15+$0x2520 ss:$0x21] =	vst.msk $0xffff, v51  }
0x1f: {  	v57 =	vld.idx.msk [tilespmem:v0+s21+$0xC10 ss:$0x1], $0xffff;
	[tilespmem:s15+$0x2730 ss:$0x21] =	vst.msk $0xffff, v52  }
0x20: {  	v58 =	vld.idx.msk [tilespmem:v0+s21+$0xC20 ss:$0x1], $0xffff;
	[tilespmem:s15+$0x2940 ss:$0x21] =	vst.msk $0xffff, v53  }
0x21: {  	v59 =	vld.idx.msk [tilespmem:v0+s21+$0xC30 ss:$0x1], $0xffff;
	[tilespmem:s15+$0x2B50 ss:$0x21] =	vst.msk $0xffff, v54  }
0x22: {  	v60 =	vld.idx.msk [tilespmem:v0+s21+$0xC40 ss:$0x1], $0xffff;
	[tilespmem:s15+$0x2D60 ss:$0x21] =	vst.msk $0xffff, v55  }
0x23: {  	v61 =	vld.idx.msk [tilespmem:v0+s21+$0xC50 ss:$0x1], $0xffff;
	[tilespmem:s15+$0x2F70 ss:$0x21] =	vst.msk $0xffff, v56  }
0x24: {  	v62 =	vld.idx.msk [tilespmem:v0+s21+$0xC60 ss:$0x1], $0xffff;
	[tilespmem:s15+$0x3390 ss:$0x21] =	vst.msk $0xffff, v57  }
0x25: {  	v63 =	vld.idx.msk [tilespmem:v0+s21+$0xC70 ss:$0x1], $0xffff;
	[tilespmem:s15+$0x35A0 ss:$0x21] =	vst.msk $0xffff, v58  }
0x26: {  	v32 =	vld [tilespmem:s24+$0xC00];
	[tilespmem:s15+$0x37B0 ss:$0x21] =	vst.msk $0xffff, v59  }
0x27: {  	v33 =	vld [tilespmem:s24+$0x0];
	[tilespmem:s15+$0x39C0 ss:$0x21] =	vst.msk $0xffff, v60  }
0x28: {  	v34 =	vld [tilespmem:s24+$0x10];
	[tilespmem:s15+$0x3BD0 ss:$0x21] =	vst.msk $0xffff, v61  }
0x29: {  	s13 =	sshll.u32 s13, $0x7;
	s26 =	sshll.u32 s12, $0x3;
	v35 =	vld [tilespmem:s24+$0x20];
	[tilespmem:s15+$0x3DE0 ss:$0x21] =	vst.msk $0xffff, v62  }
0x2a: {  	s27 =	sand.u32 $0xFFFFFC00, s13;
	s16 =	sand.u32 $0xFFFFFC00, s26;
	v36 =	vld [tilespmem:s24+$0x30];
	[tilespmem:s15+$0x3FF0 ss:$0x21] =	vst.msk $0xffff, v63  }
0x2b: {  	s13 =	sand.u32 $0x380, s13;
	s16 =	sadd.s32 s16, s27;
	v37 =	vld [tilespmem:s24+$0x40];
	[tilespmem:s15+$0x3180 ss:$0x21] =	vst.msk $0xffff, v32  }
0x2c: {  	s13 =	sor.u32 s13, s16;
	v38 =	vld [tilespmem:s24+$0x50];
	[tilespmem:s15+$0x0 ss:$0x21] =	vst.msk $0xffff, v33  }
0x2d: {  	v39 =	vld [tilespmem:s24+$0x60];
	s13 =	sshrl.u32 s13, $0x7;
	[tilespmem:s15+$0x210 ss:$0x21] =	vst.msk $0xffff, v34  }
0x2e: {  	v40 =	vld [tilespmem:s24+$0x70];
	s28 =	smulhi.u32 $0x29E71ED, s13;
	[tilespmem:s15+$0x420 ss:$0x21] =	vst.msk $0xffff, v35  }
0x2f: {  	v41 =	vld [tilespmem:s24+$0x400];
	[tilespmem:s15+$0x630 ss:$0x21] =	vst.msk $0xffff, v36  }
0x30: {  	v42 =	vld [tilespmem:s24+$0x800];
	s16 =	sshrl.u32 s28, $0xC;
	[tilespmem:s15+$0x840 ss:$0x21] =	vst.msk $0xffff, v37  }
0x31: {  	s16 =	smul.u32 $0x61C00, s16;
	[tilespmem:s15+$0xA50 ss:$0x21] =	vst.msk $0xffff, v38  }
0x32: {  	s29 =	sshrl.u32 s12, $0x3;
	[tilespmem:s15+$0xC60 ss:$0x21] =	vst.msk $0xffff, v39  }
0x33: {  	s31 =	sand.u32 $0x7, s12;
	s30 =	sand.u32 $0xF, s29;
	[tilespmem:s15+$0xE70 ss:$0x21] =	vst.msk $0xffff, v40;
	s13 =	ssub.s32 s13, s16  }
0x34: {  	s12 =	sshll.u32 s31, $0x12;
	[tilespmem:s15+$0x1080 ss:$0x21] =	vst.msk $0xffff, v41;
	s16 =	sadd.s32 s6, s30;
	s13 =	sshll.u32 s13, $0x4  }
0x35: {  	s12 =	sor.u32 $0x20, s12;
	[tilespmem:s15+$0x2100 ss:$0x21] =	vst.msk $0xffff, v42;
	s13 =	sadd.s32 s13, s16  }
0x36: {  	[hbm4b:s13+s12] =	stream.strided.scatter [tilespmem:s14], [sflag:$0x2], $0x4000, s8, s12, $0x10;
	[tilespmem:$0x10400] =	vst v63  }
.LBB1_5:
0x37: {  	s14 =	sadd.s32 $0x4000, s9  }
0x38: {  	s12 =	sadd.s32 $0x20, s10;
	s16 =	smov.u32 s10;
	p2 =	sgt.s32 s14, $0x61BFF  }
0x39: {  	s16 =	smov.u32 @p2 s12  }
0x3a: {  	s14 =	smov.u32 @p2 s2;
	p2 =	sgt.s32 s16, $0x1F  }
0x3b: {  	s16 =	simm.s32 @p2 $0x0;
	p2 =	sne.s32 s11, s7  }
.Ltmp1:
0x3c: {  	p1 =	slt.u32 s11, $0x2;
	(pc) =	sbr.rel @!p2 .LBB1_6-.Ltmp1, $4  }
0x3d: {  	s15 =	simm.s32 @!p1 $0x2  }
0x3e: {  	s13 =	smov.u32 s9;
	p0 =	por !p0, !p0;
	_ =	swait.ge @!p1 [sflag:s15], $0x4000  }
0x3f: {  	s12 =	smov.u32 s10;
	[sflag:s15] =	ssyncset.done @!p1 $0x0;
	s9 =	smov.u32 s14  }
0x40: {  	s11 =	sadd.s32 $0x1, s11;
	[sflag:s15] =	ssyncadd.s32 @!p1 $0xFFFFC000;
	s10 =	smov.u32 s16  }
.LBB1_1:
0x41: {  	p1 =	sge.u32 s11, s5  }
0x42: {  	s14 =	sshrl.u32 @!p1 s10, $0x3  }
0x43: {  	s15 =	sshll.u32 @!p1 s9, $0x3;
	s16 =	sshll.u32 @!p1 s10, $0x7;
	s14 =	smul.u32 @!p1 $0x30E000, s14  }
0x44: {  	s17 =	sand.u32 @!p1 $0x7F, s9;
	s15 =	sand.u32 @!p1 $0xFFFFFC00, s15;
	s16 =	sand.u32 @!p1 $0x380, s16  }
0x45: {  	s14 =	sadd.s32 @!p1 s14, s15;
	s15 =	sor.u32 @!p1 s17, s16  }
0x46: {  	s15 =	sor.u32 @!p1 s14, s15  }
0x47: {  	s16 =	smulhi.u32 @!p1 $0xA79C7B17, s15;
	_ =	sdelay $0x1  }
0x48: {  	s14 =	smulhi.u32 @!p1 $0xA79C7B17, s14;
	s16 =	sshrl.u32 @!p1 s16, $0x12  }
0x49: {  	s16 =	smul.u32 @!p1 $0x61C00, s16  }
0x4a: {  	s31 =	sadd.s32 $0xFFFFFFFF, s11;
	s17 =	sxor.u32 @!p1 $0xFFFFFFFF, s11;
	s14 =	sshrl.u32 @!p1 s14, $0x12  }
0x4b: {  	s17 =	sshll.u32 @!p1 s17, $0xE;
	s14 =	sand.u32 @!p1 $0x1F, s14;
	s15 =	ssub.s32 @!p1 s15, s16  }
0x4c: {  	s14 =	smul.u32 @!p1 $0xC380, s14;
	s16 =	sshrl.u32 @!p1 s15, $0x3;
	s15 =	sand.u32 @!p1 $0x7, s15  }
0x4d: {  	s17 =	sand.u32 @!p1 $0x4000, s17;
	s16 =	sadd.s32 @!p1 s3, s16;
	s15 =	sshll.u32 @!p1 s15, $0x12  }
0x4e: {  	s14 =	sadd.s32 @!p1 s14, s16;
	s15 =	sor.u32 @!p1 $0x1000, s15;
	s16 =	simm.s32 @!p1 $0x30E000  }
0x4f: {  	[tilespmem:s17], [sflag:$0x1] =	stream.strided.gather @!p1 [hbm4b:s14+s15], $0x4000, s16, s15, $0x38;
	[tilespmem:$0x10400] =	vst v63  }
0x50: {  	p1 =	sge.u32 s31, s5  }
.Ltmp2:
0x51: {  	_ = 	snop;
	(pc) =	sbr.rel @p1 .LBB1_5-.Ltmp2, $1  }
0x52: {  	_ =	sdelay $0x3  }
0x53: {  	s17 =	simm.s32 $0x0  }
0x54: {  	s16 =	sand.u32 $0x3000, s17;
	s18 =	sand.u32 $0x380, s17  }
0x55: {  	s14 =	sand.u32 $0x1, s11;
	s16 =	sor.u32 s18, s16  }
0x56: {  	_ =	swait.ge [sflag:s4], $0x4000;
	s15 =	sshll.u32 s14, $0xE;
	s18 =	sand.u32 $0x3200, s16  }
0x57: {  	[sflag:s4] =	ssyncset.done $0x0;
	s17 =	sand.u32 $0x180, s17;
	s18 =	sadd.s32 s18, s15  }
0x58: {  	[sflag:s4] =	ssyncadd.s32 $0xFFFFC000;
	s20 =	sadd.s32 s17, s18  }
0x59: {  	v4 =	vld [tilespmem:s20+$0xC00]  }
0x5a: {  	s19 =	simm.s32 $0x1;
	v0 =	vmov s15;
	v5 =	vld [tilespmem:s20+$0x0]  }
0x5b: {  	s19 =	simm.s32 @!p0 $0x0;
	v6 =	vld [tilespmem:s20+$0x10]  }
0x5c: {  	s31 =	smul.u32 $0x10800, s19;
	v7 =	vld [tilespmem:s20+$0x20]  }
0x5d: {  	v8 =	vld [tilespmem:s20+$0x30]  }
0x5e: {  	s17 =	sshrl.u32 s31, $0x2;
	v9 =	vld [tilespmem:s20+$0x40]  }
0x5f: {  	s17 =	sor.u32 $0x8000, s17;
	v1 =	vld.idx.msk [tilespmem:v0+s16+$0x410 ss:$0x1], $0xffff  }
0x60: {  	v2 =	vld.idx.msk [tilespmem:v0+s16+$0x420 ss:$0x1], $0xffff;
	s18 =	sadd.s32 $0x0, s17  }
0x61: {  	v3 =	vld.idx.msk [tilespmem:v0+s16+$0x430 ss:$0x1], $0xffff;
	[tilespmem:s18+$0x3180 ss:$0x21] =	vst.msk $0xffff, v4  }
0x62: {  	v10 =	vld.idx.msk [tilespmem:v0+s16+$0x820 ss:$0x1], $0xffff;
	[tilespmem:s18+$0x0 ss:$0x21] =	vst.msk $0xffff, v5  }
0x63: {  	v11 =	vld.idx.msk [tilespmem:v0+s16+$0x830 ss:$0x1], $0xffff;
	[tilespmem:s18+$0x210 ss:$0x21] =	vst.msk $0xffff, v6  }
0x64: {  	v12 =	vld.idx.msk [tilespmem:v0+s16+$0x840 ss:$0x1], $0xffff;
	[tilespmem:s18+$0x420 ss:$0x21] =	vst.msk $0xffff, v7  }
0x65: {  	v13 =	vld.idx.msk [tilespmem:v0+s16+$0x850 ss:$0x1], $0xffff;
	[tilespmem:s18+$0x630 ss:$0x21] =	vst.msk $0xffff, v8  }
0x66: {  	v4 =	vld [tilespmem:s20+$0x50];
	[tilespmem:s18+$0x840 ss:$0x21] =	vst.msk $0xffff, v9  }
0x67: {  	v5 =	vld [tilespmem:s20+$0x60];
	[tilespmem:s18+$0x1290 ss:$0x21] =	vst.msk $0xffff, v1  }
0x68: {  	v6 =	vld [tilespmem:s20+$0x70];
	[tilespmem:s18+$0x14A0 ss:$0x21] =	vst.msk $0xffff, v2  }
0x69: {  	v7 =	vld [tilespmem:s20+$0x400];
	[tilespmem:s18+$0x16B0 ss:$0x21] =	vst.msk $0xffff, v3  }
0x6a: {  	v8 =	vld [tilespmem:s20+$0x800];
	[tilespmem:s18+$0x2520 ss:$0x21] =	vst.msk $0xffff, v10  }
0x6b: {  	v9 =	vld.idx.msk [tilespmem:v0+s16+$0x470 ss:$0x1], $0xffff;
	[tilespmem:s18+$0x2730 ss:$0x21] =	vst.msk $0xffff, v11  }
0x6c: {  	v3 =	vld.idx.msk [tilespmem:v0+s16+$0xC10 ss:$0x1], $0xffff;
	[tilespmem:s18+$0x2940 ss:$0x21] =	vst.msk $0xffff, v12  }
0x6d: {  	v1 =	vld.idx.msk [tilespmem:v0+s16+$0xC20 ss:$0x1], $0xffff;
	[tilespmem:s18+$0x2B50 ss:$0x21] =	vst.msk $0xffff, v13  }
0x6e: {  	v2 =	vld.idx.msk [tilespmem:v0+s16+$0xC30 ss:$0x1], $0xffff;
	[tilespmem:s18+$0xA50 ss:$0x21] =	vst.msk $0xffff, v4  }
0x6f: {  	[tilespmem:s18+$0xE70 ss:$0x21] =	vst.msk $0xffff, v6;
	v6 =	vld.idx.msk [tilespmem:v0+s16+$0x460 ss:$0x1], $0xffff  }
0x70: {  	v4 =	vld.idx.msk [tilespmem:v0+s16+$0x440 ss:$0x1], $0xffff;
	[tilespmem:s18+$0xC60 ss:$0x21] =	vst.msk $0xffff, v5  }
0x71: {  	v5 =	vld.idx.msk [tilespmem:v0+s16+$0x450 ss:$0x1], $0xffff;
	[tilespmem:s18+$0x1080 ss:$0x21] =	vst.msk $0xffff, v7  }
0x72: {  	[tilespmem:s18+$0x2100 ss:$0x21] =	vst.msk $0xffff, v8;
	v8 =	vld.idx.msk [tilespmem:v0+s16+$0x810 ss:$0x1], $0xffff  }
0x73: {  	v7 =	vld.idx.msk [tilespmem:v0+s16+$0x860 ss:$0x1], $0xffff;
	[tilespmem:s18+$0x1EF0 ss:$0x21] =	vst.msk $0xffff, v9  }
0x74: {  	s14 =	smul.u32 $0x10800, s14;
	[tilespmem:s18+$0x1CE0 ss:$0x21] =	vst.msk $0xffff, v6;
	v6 =	vld.idx.msk [tilespmem:v0+s16+$0x870 ss:$0x1], $0xffff  }
0x75: {  	s21 =	simm.s32 $0x200;
	s22 =	simm.s32 $0x8;
	[tilespmem:s18+$0x18C0 ss:$0x21] =	vst.msk $0xffff, v4;
	v4 =	vld.idx.msk [tilespmem:v0+s16+$0xC40 ss:$0x1], $0xffff  }
0x76: {  	s23 =	sand.u32 $0x3000, s21;
	s14 =	sshrl.u32 s14, $0x2;
	s20 =	simm.s32 $0x80;
	[tilespmem:s18+$0x1AD0 ss:$0x21] =	vst.msk $0xffff, v5;
	v5 =	vld.idx.msk [tilespmem:v0+s16+$0xC50 ss:$0x1], $0xffff  }
0x77: {  	s19 =	simm.s32 $0x4;
	s14 =	sor.u32 $0x8000, s14;
	s24 =	sand.u32 $0x380, s20;
	[tilespmem:s18+$0x2310 ss:$0x21] =	vst.msk $0xffff, v8;
	v8 =	vld.idx.msk [tilespmem:v0+s16+$0xC60 ss:$0x1], $0xffff  }
.LBB1_3:
0x78: {  	p1 =	sne.s32 s22, $0x7C;
	[tilespmem:s18+$0x2D60 ss:$0x21] =	vst.msk $0xffff, v7;
	v7 =	vld.idx.msk [tilespmem:v0+s16+$0xC70 ss:$0x1], $0xffff;
	s16 =	sor.u32 s24, s23  }
0x79: {  	s23 =	sand.u32 $0x3200, s16;
	v9 =	vld.idx.msk [tilespmem:v0+s16+$0x410 ss:$0x1], $0xffff;
	[tilespmem:s18+$0x2F70 ss:$0x21] =	vst.msk $0xffff, v6  }
0x7a: {  	s24 =	sand.u32 $0x180, s20;
	s23 =	sadd.s32 s23, s15;
	v6 =	vld.idx.msk [tilespmem:v0+s16+$0x420 ss:$0x1], $0xffff;
	[tilespmem:s18+$0x3390 ss:$0x21] =	vst.msk $0xffff, v3  }
0x7b: {  	s23 =	sadd.s32 s24, s23;
	v3 =	vld.idx.msk [tilespmem:v0+s16+$0x430 ss:$0x1], $0xffff;
	[tilespmem:s18+$0x35A0 ss:$0x21] =	vst.msk $0xffff, v1  }
0x7c: {  	v1 =	vld [tilespmem:s23+$0xC00];
	[tilespmem:s18+$0x37B0 ss:$0x21] =	vst.msk $0xffff, v2  }
0x7d: {  	v2 =	vld [tilespmem:s23+$0x0];
	[tilespmem:s18+$0x39C0 ss:$0x21] =	vst.msk $0xffff, v4  }
0x7e: {  	v4 =	vld [tilespmem:s23+$0x10];
	[tilespmem:s18+$0x3BD0 ss:$0x21] =	vst.msk $0xffff, v5  }
0x7f: {  	s24 =	sshra.s32 s19, $0x2;
	s19 =	smov.u32 s22;
	v5 =	vld [tilespmem:s23+$0x20];
	[tilespmem:s18+$0x3DE0 ss:$0x21] =	vst.msk $0xffff, v8  }
0x80: {  	v8 =	vld [tilespmem:s23+$0x30];
	[tilespmem:s18+$0x3FF0 ss:$0x21] =	vst.msk $0xffff, v7;
	s18 =	sadd.s32 s24, s17  }
0x81: {  	v7 =	vld [tilespmem:s23+$0x40];
	[tilespmem:s18+$0x3180 ss:$0x21] =	vst.msk $0xffff, v1  }
0x82: {  	[tilespmem:s18+$0x0 ss:$0x21] =	vst.msk $0xffff, v2;
	v1 =	vld [tilespmem:s23+$0x50]  }
0x83: {  	[tilespmem:s18+$0x210 ss:$0x21] =	vst.msk $0xffff, v4;
	v2 =	vld [tilespmem:s23+$0x60]  }
0x84: {  	[tilespmem:s18+$0x420 ss:$0x21] =	vst.msk $0xffff, v5;
	v4 =	vld [tilespmem:s23+$0x70]  }
0x85: {  	[tilespmem:s18+$0x630 ss:$0x21] =	vst.msk $0xffff, v8;
	v5 =	vld [tilespmem:s23+$0x400]  }
0x86: {  	[tilespmem:s18+$0x840 ss:$0x21] =	vst.msk $0xffff, v7;
	v7 =	vld [tilespmem:s23+$0x800]  }
0x87: {  	[tilespmem:s18+$0xA50 ss:$0x21] =	vst.msk $0xffff, v1;
	v1 =	vld.idx.msk [tilespmem:v0+s16+$0x440 ss:$0x1], $0xffff  }
0x88: {  	[tilespmem:s18+$0xC60 ss:$0x21] =	vst.msk $0xffff, v2;
	v2 =	vld.idx.msk [tilespmem:v0+s16+$0x450 ss:$0x1], $0xffff  }
0x89: {  	[tilespmem:s18+$0xE70 ss:$0x21] =	vst.msk $0xffff, v4;
	v4 =	vld.idx.msk [tilespmem:v0+s16+$0x460 ss:$0x1], $0xffff  }
0x8a: {  	[tilespmem:s18+$0x1080 ss:$0x21] =	vst.msk $0xffff, v5;
	v5 =	vld.idx.msk [tilespmem:v0+s16+$0x470 ss:$0x1], $0xffff  }
0x8b: {  	[tilespmem:s18+$0x2100 ss:$0x21] =	vst.msk $0xffff, v7;
	v8 =	vld.idx.msk [tilespmem:v0+s16+$0x810 ss:$0x1], $0xffff  }
0x8c: {  	[tilespmem:s18+$0x1290 ss:$0x21] =	vst.msk $0xffff, v9;
	v9 =	vld.idx.msk [tilespmem:v0+s16+$0x820 ss:$0x1], $0xffff  }
0x8d: {  	[tilespmem:s18+$0x14A0 ss:$0x21] =	vst.msk $0xffff, v6;
	v10 =	vld.idx.msk [tilespmem:v0+s16+$0x830 ss:$0x1], $0xffff  }
0x8e: {  	[tilespmem:s18+$0x16B0 ss:$0x21] =	vst.msk $0xffff, v3;
	v11 =	vld.idx.msk [tilespmem:v0+s16+$0x840 ss:$0x1], $0xffff  }
0x8f: {  	[tilespmem:s18+$0x18C0 ss:$0x21] =	vst.msk $0xffff, v1;
	v12 =	vld.idx.msk [tilespmem:v0+s16+$0x850 ss:$0x1], $0xffff  }
0x90: {  	[tilespmem:s18+$0x1AD0 ss:$0x21] =	vst.msk $0xffff, v2;
	v7 =	vld.idx.msk [tilespmem:v0+s16+$0x860 ss:$0x1], $0xffff  }
0x91: {  	[tilespmem:s18+$0x1CE0 ss:$0x21] =	vst.msk $0xffff, v4;
	v6 =	vld.idx.msk [tilespmem:v0+s16+$0x870 ss:$0x1], $0xffff  }
0x92: {  	[tilespmem:s18+$0x1EF0 ss:$0x21] =	vst.msk $0xffff, v5;
	v3 =	vld.idx.msk [tilespmem:v0+s16+$0xC10 ss:$0x1], $0xffff  }
.Ltmp3:
0x93: {  	[tilespmem:s18+$0x2310 ss:$0x21] =	vst.msk $0xffff, v8;
	v1 =	vld.idx.msk [tilespmem:v0+s16+$0xC20 ss:$0x1], $0xffff;
	(pc) =	sbr.rel @p1 .LBB1_3-.Ltmp3, $4  }
0x94: {  	[tilespmem:s18+$0x2520 ss:$0x21] =	vst.msk $0xffff, v9;
	v2 =	vld.idx.msk [tilespmem:v0+s16+$0xC30 ss:$0x1], $0xffff  }
0x95: {  	[tilespmem:s18+$0x2730 ss:$0x21] =	vst.msk $0xffff, v10;
	v4 =	vld.idx.msk [tilespmem:v0+s16+$0xC40 ss:$0x1], $0xffff  }
0x96: {  	s20 =	sadd.s32 $0x80, s20;
	s21 =	sadd.s32 $0x200, s21;
	[tilespmem:s18+$0x2940 ss:$0x21] =	vst.msk $0xffff, v11;
	v5 =	vld.idx.msk [tilespmem:v0+s16+$0xC50 ss:$0x1], $0xffff  }
0x97: {  	s22 =	sadd.s32 $0x4, s22;
	s24 =	sand.u32 $0x380, s20;
	s23 =	sand.u32 $0x3000, s21;
	[tilespmem:s18+$0x2B50 ss:$0x21] =	vst.msk $0xffff, v12;
	v8 =	vld.idx.msk [tilespmem:v0+s16+$0xC60 ss:$0x1], $0xffff  }
.Ltmp4:
0x98: {  	_ = 	snop;
	(pc) =	sbr.rel .LBB1_4-.Ltmp4, $1  }
0x99: {  	_ =	sdelay $0x3  }
.LBB1_6:
0x9a: {  	_ =	sfence.sel $0x180000  }
0x9b: {  	s2 =	simm.s32 $0x1;
	[bflag:$0x0] =	sbarrier.arrive $0xFFFF  }
0x9c: {  	s31 =	simm.s32 $0x2;
	[sflag:s2] =	ssyncpa.u1 $0x1  }
0x9d: {  	[sflag:s31] =	ssyncpa.u1 $0x1  }
0x9e: {  	p0 =	sne.s32 s0, $0x0;
	_ =	strace $0x9000004A  }
0x9f: {  	s0 =	sadd.s32 @!p0 $0x100000, s1;
	[bflag:$0x2] =	sbarrier.arrive $0xFFFF  }
0xa0: {  	[sflag:s0] =	ssyncadd.tile.s32 @!p0 $0x1;
	_ =	shalt  }
.Lfunc_end1:
_tile_overlayer_lowered:
.L_overlay_start_2:
0xa1: {  	(tag) =	ssettag $0x2  }
0xa2: {  	s0 =	rddreg [dreg:$0x0];
	s2 =	stileid.u32  }
0xa3: {  	s1 =	rddreg [dreg:$0x1];
	p0 =	sne.s32 s2, $0x0  }
0xa4: {  	s3 =	rddreg [dreg:$0x2];
	[bflag:$0x3] =	sbarrier.arrive $0xFFFF;
	s2 =	simm.s32 @!p0 $0x1C01  }
0xa5: {  	[timem:s3], [sflag:s2] =	dma.local @!p0 [hbm:s0], s1  }
0xa6: {  	s0 =	simm.s32 @!p0 $0x1  }
0xa7: {  	_ =	swait.ge @!p0 [sflag:s0], s1  }
0xa8: {  	s1 =	ssub.s32 @!p0 $0x0, s1;
	[sflag:s0] =	ssyncset.done @!p0 $0x0  }
0xa9: {  	[sflag:s0] =	ssyncadd.s32 @!p0 s1  }
0xaa: {  	[bflag:$0x3] =	sbarrier.arrive $0xFFFF  }
0xab: {  	_ =	shalt  }

// kernel: sparse-core-data-format-call.cloned.1.call-start
scs
called_computation_lowered:
.L_overlay_start_0:
0x0: {  	s2 =	sld [smem:$0x3FD9]  }
0x1: {  	s3 =	sld [smem:$0x3FFE];
	_ =	sdelay $0x1  }
0x2: {  	s1 =	srdreg.scid  }
0x3: {  	s0 =	sand.u32 $0x1, s1  }
0x4: {  	s18 =	sshll.u32 s0, $0xA;
	s2 =	sadd.s32 s3, s2  }
0x5: {  	s2 =	sadd.s32 s2, s18  }
0x6: {  	[smem:$0x3FC6] =	sst s2  }
0x7: {  	_ = 	snop  }
0x8: {  	s2 =	sld [smem:$0x3FD0];
	(tm) =	ssettm $0x1  }
0x9: {  	s19 =	sld [smem:$0x3FFB];
	_ =	sdelay $0x3  }
0xa: {  	_ =	strace s19  }
0xb: {  	s3 =	sld [smem:$0x3FFC];
	_ =	sdelay $0x3  }
0xc: {  	_ =	strace s3  }
0xd: {  	s3 =	sld [smem:$0x3FFD];
	_ =	sdelay $0x3  }
0xe: {  	_ =	strace s3  }
0xf: {  	_ =	strace $0x8FFFFFFF  }
0x10: {  	s20 =	sld [smem:$0x3FDB];
	_ =	sdelay $0x1  }
0x11: {  	s4 =	simm.s32 $_scs_section_size  }
0x12: {  	s5 =	simm.s32 $_size__tile_overlayer_lowered;
	s6 =	simm.s32 $_tile_overlayer_lowered  }
0x13: {  	s23 =	simm.s32 $0x1BFF;
	s22 =	sshll.u32 s6, $0x1;
	s3 =	sadd.s32 s4, s20  }
0x14: {  	s7 =	simm.s32 $0x0;
	s21 =	sshll.u32 s5, $0x1;
	s5 =	sadd.s32 s22, s3  }
0x15: {  	[timem:s7], [sflag:s23] =	dma.local [hbm:s5], s21  }
0x16: {  	_ =	swait.ge [sflag:s23], s21  }
0x17: {  	s4 =	ssub.s32 $0x0, s21;
	[sflag:s23] =	ssyncset.done $0x0  }
0x18: {  	[sflag:s23] =	ssyncadd.s32 s4;
	_ =	sdelay $0x1  }
0x19: {  	s24 =	simm.s32 $0x1B8B  }
0x1a: {  	_ =	swait.ge [sflag:s24], $0x1  }
0x1b: {  	[sflag:s24] =	ssyncset.done $0x0  }
0x1c: {  	s26 =	simm.s32 $0x1B8E;
	s25 =	sld [smem:$0x3FFE];
	[sflag:s24] =	ssyncadd.s32 $0xFFFFFFFF  }
0x1d: {  	s27 =	simm.s32 $execute0_lowered;
	[smem:$0x3FD2] =	sst s26  }
0x1e: {  	s5 =	sshll.u32 s27, $0x1;
	_ =	strace $0x8000004C;
	[dreg:$0x1] =	wrdreg $0xFFFFFFFF  }
0x1f: {  	s28 =	simm.s32 $_size_execute0_lowered;
	s3 =	sadd.s32 s3, s5;
	[dreg:$0x0] =	wrdreg $0x0  }
0x20: {  	s5 =	sshll.u32 s28, $0x1;
	[dreg:$0x2] =	wrdreg s3  }
0x21: {  	[dreg:$0x3] =	wrdreg s5  }
0x22: {  	[dreg:$0x4] =	wrdreg $0xC0  }
0x23: {  	_ =	task [dreg:s7], $0x5FFFF  }
0x24: {  	[dreg:$0x1] =	wrdreg $0xFFFFFFFF  }
0x25: {  	[dreg:$0x0] =	wrdreg $0x60  }
0x26: {  	[dreg:$0x2] =	wrdreg s25  }
0x27: {  	[dreg:$0x3] =	wrdreg s2  }
0x28: {  	[dreg:$0x4] =	wrdreg $0x9  }
0x29: {  	_ =	task.clear_ibuf [dreg:s7], $0x5FFFF;
	_ =	strace $0x9000004C  }
0x2a: {  	s29 =	simm.s32 $0x9;
	_ =	strace $0x8000004E  }
0x2b: {  	_ =	swait.ge [sflag:s29], $0x1  }
0x2c: {  	[sflag:s29] =	ssyncadd.s32 $0xFFFFFFFF  }
0x2d: {  	_ =	strace $0x9000004E  }
0x2e: {  	_ =	sfence  }
0x2f: {  	s30 =	sld [smem:$0x0];
	_ =	sdelay $0x2  }
0x30: {  	s31 =	sshll.u32 s1, $0xD;
	s1 =	sshrl.u32 s1, $0x2  }
0x31: {  	s3 =	sand.u32 $0x4000, s31;
	s1 =	sadd.s32 s1, s30  }
0x32: {  	s0 =	sor.u32 s3, s0;
	s1 =	sshll.u32 s1, $0x11  }
0x33: {  	s0 =	sor.u32 s1, s0  }
0x34: {  	s0 =	sadd.s32 $0x8F2B, s0  }
0x35: {  	[sflag:s0] =	ssyncadd.remote.s32 $0x1  }
0x36: {  	_ =	sfence.sel $0xFFFF  }
0x37: {  	[dreg:$0x0] =	wrdreg $0xFFFFFFFF;
	(pc) =	sbr.abs _section_cstart, $3  }
0x38: {  	[dreg:$0x1] =	wrdreg $0xFFFFFFFF  }
0x39: {  	_ =	task.clear_ibuf [dreg:s7], $0x2FFFF;
	_ =	strace $0x9FFFFFFF  }
0x3a: {  	(tm) =	ssettm $0x7FFFFFFF  }
0x3b: {  	_ =	shalt  }
tec
execute0_lowered:
.L_overlay_start_1:
0x0: {  	(tag) =	ssettag $0x1  }
0x1: {  	s0 =	srdreg.scid  }
0x2: {  	s1 =	sshll.u32 s0, $0x4  }
0x3: {  	s4 =	rddreg [dreg:$0x0];
	s0 =	stileid.u32;
	s1 =	sand.u32 $0x10, s1  }
0x4: {  	s2 =	rddreg [dreg:$0x1];
	s7 =	simm.s32 $0x1;
	s1 =	sor.u32 s0, s1  }
0x5: {  	s8 =	simm.s32 $0x2;
	s11 =	simm.s32 $0x0;
	s3 =	sshll.u32 s1, $0x7  }
0x6: {  	s10 =	simm.s32 $0x0;
	s4 =	sadd.s32 $0x800, s4;
	s6 =	ssub.s32 $0x61A80, s3  }
.Ltmp0:
0x7: {  	s1 =	rddreg [dreg:$0x2];
	s5 =	sand.u32 $0xF80, s6;
	(pc) =	sbr.rel .LBB1_1-.Ltmp0, $4  }
0x8: {  	_ =	strace $0x8000004D;
	s9 =	smov.u32 s3;
	p0 =	sne.s32 s5, $0x0  }
0x9: {  	s6 =	sshrl.u32 s6, $0xC;
	s5 =	simm.s32 $0x1;
	s7 =	simm.s32 @!p0 $0x0  }
0xa: {  	[sflag:s5] =	ssyncpa.u1 $0x0;
	p0 =	por $0x0, $0x0;
	s6 =	sadd.s32 s7, s6  }
0xb: {  	[sflag:s8] =	ssyncpa.u1 $0x0;
	s8 =	simm.s32 $0x30D400;
	s7 =	sadd.s32 $0x1, s6  }
.LBB1_4:
0xc: {  	s14 =	sshll.u32 s11, $0x3  }
0xd: {  	s14 =	sand.u32 $0xFFFFFC00, s14  }
0xe: {  	s15 =	sshrl.u32 s14, $0x7  }
0xf: {  	s15 =	smulhi.u32 $0x14F8B59, s15;
	_ =	sdelay $0x1  }
0x10: {  	s15 =	sshrl.u32 s15, $0x4  }
0x11: {  	s28 =	sand.u32 $0x7F, s11;
	s16 =	smul.u32 $0x61A80, s15  }
0x12: {  	s11 =	sor.u32 s28, s14  }
0x13: {  	s29 =	sand.u32 $0x1F, s15;
	s11 =	ssub.s32 s11, s16  }
0x14: {  	s14 =	smul.u32 $0xC350, s29;
	s30 =	sshrl.u32 s11, $0x3;
	s11 =	sand.u32 $0x7, s11  }
0x15: {  	s15 =	sadd.s32 s2, s30;
	s11 =	sshll.u32 s11, $0x12  }
0x16: {  	[tilespmem:s13+$0x0 ss:$0x81] =	vst.msk $0xffff, v0;
	s31 =	sadd.s32 s14, s15;
	s11 =	sor.u32 $0x400, s11  }
0x17: {  	[hbm4b:s31+s11] =	stream.strided.scatter [tilespmem:s12], [sflag:$0x2], $0x1000, s8, s11, $0x20;
	[tilespmem:$0x4040] =	vst v63  }
.LBB1_5:
0x18: {  	s13 =	sadd.s32 $0x1000, s9  }
0x19: {  	p2 =	sgt.s32 s13, $0x61A7F  }
0x1a: {  	s13 =	smov.u32 @p2 s3;
	p2 =	sne.s32 s10, s7  }
.Ltmp1:
0x1b: {  	p1 =	slt.u32 s10, $0x2;
	(pc) =	sbr.rel @!p2 .LBB1_6-.Ltmp1, $4  }
0x1c: {  	s12 =	simm.s32 @!p1 $0x2  }
0x1d: {  	s14 =	sadd.s32 $0x1, s10;
	_ =	swait.ge @!p1 [sflag:s12], $0x1000  }
0x1e: {  	s11 =	smov.u32 s9;
	p0 =	por !p0, !p0;
	[sflag:s12] =	ssyncset.done @!p1 $0x0  }
0x1f: {  	s10 =	smov.u32 s14;
	s9 =	smov.u32 s13;
	[sflag:s12] =	ssyncadd.s32 @!p1 $0xFFFFF000  }
.LBB1_1:
0x20: {  	p1 =	sge.u32 s10, s6  }
0x21: {  	s12 =	sand.u32 @!p1 $0x1FFFFFF, s9  }
0x22: {  	s13 =	smulhi.u32 @!p1 $0x14F8B59, s12;
	_ =	sdelay $0x1  }
0x23: {  	s13 =	sshrl.u32 @!p1 s13, $0xB  }
0x24: {  	s13 =	smul.u32 @!p1 $0x61A80, s13;
	_ =	sdelay $0x1  }
0x25: {  	s31 =	sadd.s32 $0xFFFFFFFF, s10;
	s14 =	sxor.u32 @!p1 $0xFFFFFFFF, s10;
	s12 =	ssub.s32 @!p1 s12, s13  }
0x26: {  	s15 =	simm.s32 @!p1 $0x80;
	s14 =	sshll.u32 @!p1 s14, $0xC;
	s12 =	sshll.u32 @!p1 s12, $0x4  }
0x27: {  	s13 =	sand.u32 @!p1 $0x1000, s14;
	s14 =	simm.s32 @!p1 $0x20;
	s12 =	sadd.s32 @!p1 s4, s12  }
0x28: {  	[tilespmem:s13], [sflag:$0x1] =	stream.strided.gather @!p1 [hbm4b:s12+s14], $0x1000, s15, s14, $0x38;
	[tilespmem:$0x4040] =	vst v63  }
0x29: {  	p1 =	sge.u32 s31, s6  }
.Ltmp2:
0x2a: {  	_ = 	snop;
	(pc) =	sbr.rel @p1 .LBB1_5-.Ltmp2, $1  }
0x2b: {  	_ =	sdelay $0x3  }
0x2c: {  	s12 =	simm.s32 $0x1  }
0x2d: {  	_ =	swait.ge [sflag:s5], $0x1000;
	s12 =	simm.s32 @!p0 $0x0  }
0x2e: {  	[sflag:s5] =	ssyncset.done $0x0;
	s13 =	sshll.u32 s12, $0xC  }
0x2f: {  	[sflag:s5] =	ssyncadd.s32 $0xFFFFF000;
	s16 =	sor.u32 $0x10, s13  }
0x30: {  	s12 =	smul.u32 $0x4080, s12;
	v1 =	vld [tilespmem:s16+$0x0]  }
0x31: {  	s30 =	sand.u32 $0x1, s10;
	v0 =	vld [tilespmem:s16+$0xFFFFFFF0]  }
0x32: {  	s13 =	smul.u32 $0x4080, s30;
	s12 =	sshrl.u32 s12, $0x2  }
0x33: {  	s14 =	sor.u32 $0x2000, s12  }
0x34: {  	s31 =	sshrl.u32 s13, $0x2;
	s13 =	sadd.s32 $0x0, s14  }
0x35: {  	s15 =	simm.s32 $0x4;
	s16 =	sadd.s32 $0x20, s16;
	s12 =	sor.u32 $0x2000, s31;
	[tilespmem:s13+$0x810 ss:$0x81] =	vst.msk $0xffff, v1  }
.LBB1_3:
0x36: {  	v1 =	vld [tilespmem:s16+$0x0];
	p1 =	sne.s32 s15, $0x1FC;
	[tilespmem:s13+$0x0 ss:$0x81] =	vst.msk $0xffff, v0;
	s13 =	smov.u32 s15;
	s15 =	sadd.s32 $0x4, s15  }
.Ltmp3:
0x37: {  	v0 =	vld [tilespmem:s16+$0xFFFFFFF0];
	(pc) =	sbr.rel @p1 .LBB1_3-.Ltmp3, $4  }
0x38: {  	_ = 	snop  }
0x39: {  	s13 =	sshra.s32 s13, $0x2  }
0x3a: {  	s13 =	sadd.s32 s13, s14  }
0x3b: {  	s16 =	sadd.s32 $0x20, s16;
	[tilespmem:s13+$0x810 ss:$0x81] =	vst.msk $0xffff, v1  }
.Ltmp4:
0x3c: {  	_ = 	snop;
	(pc) =	sbr.rel .LBB1_4-.Ltmp4, $1  }
0x3d: {  	_ =	sdelay $0x3  }
.LBB1_6:
0x3e: {  	_ =	sfence.sel $0x180000  }
0x3f: {  	s2 =	simm.s32 $0x1;
	[bflag:$0x0] =	sbarrier.arrive $0xFFFF  }
0x40: {  	s31 =	simm.s32 $0x2;
	[sflag:s2] =	ssyncpa.u1 $0x1  }
0x41: {  	[sflag:s31] =	ssyncpa.u1 $0x1  }
0x42: {  	p0 =	sne.s32 s0, $0x0;
	_ =	strace $0x9000004D  }
0x43: {  	s0 =	sadd.s32 @!p0 $0x100000, s1;
	[bflag:$0x2] =	sbarrier.arrive $0xFFFF  }
0x44: {  	[sflag:s0] =	ssyncadd.tile.s32 @!p0 $0x1;
	_ =	shalt  }
.Lfunc_end1:
_tile_overlayer_lowered:
.L_overlay_start_2:
0x45: {  	(tag) =	ssettag $0x2  }
0x46: {  	s0 =	rddreg [dreg:$0x0];
	s2 =	stileid.u32  }
0x47: {  	s1 =	rddreg [dreg:$0x1];
	p0 =	sne.s32 s2, $0x0  }
0x48: {  	s3 =	rddreg [dreg:$0x2];
	[bflag:$0x3] =	sbarrier.arrive $0xFFFF;
	s2 =	simm.s32 @!p0 $0x1C01  }
0x49: {  	[timem:s3], [sflag:s2] =	dma.local @!p0 [hbm:s0], s1  }
0x4a: {  	s0 =	simm.s32 @!p0 $0x1  }
0x4b: {  	_ =	swait.ge @!p0 [sflag:s0], s1  }
0x4c: {  	s1 =	ssub.s32 @!p0 $0x0, s1;
	[sflag:s0] =	ssyncset.done @!p0 $0x0  }
0x4d: {  	[sflag:s0] =	ssyncadd.s32 @!p0 s1  }
0x4e: {  	[bflag:$0x3] =	sbarrier.arrive $0xFFFF  }
0x4f: {  	_ =	shalt  }

</sc_bundles>
